<compile_context>
chip_gen: v7x
topology: tpu7x:2x2x1
jax: 0.10.2.dev20260603
libtpu: 0.0.44.dev20260713+nightly
codegen_flags: <defaults>
</compile_context>

<pallas_src>
import jax
import jax.numpy as jnp
from jax import lax
from jax.experimental import pallas as pl
from jax.experimental.pallas import tpu as pltpu
from jax.experimental.pallas import tpu_sc as plsc

N = 10000
E = 320000
CH = 128
HCH = CH // 2

NC = 2
NS = 16
NW = NC * NS

C = 128
KD = 80
KA = 160
NPH = 4
KQ = KA // NPH
NB = 4
NPAD = 10112
APAD = 10008
RPT = 632
OLAST = N - (NS - 1) * RPT
ALAST = APAD - (NS - 1) * RPT

_mesh = plsc.VectorSubcoreMesh(
    core_axis_name="c", subcore_axis_name="s", num_cores=NC, num_subcores=NS)


def _striped_copy(s, src_view, dst_view, last):

  @pl.when(s < NS - 1)
  def _():
    pltpu.sync_copy(src_view.at[pl.ds(s * RPT, RPT)],
                    dst_view.at[pl.ds(s * RPT, RPT)])

  @pl.when(s == NS - 1)
  def _():
    pltpu.sync_copy(src_view.at[pl.ds((NS - 1) * RPT, last)],
                    dst_view.at[pl.ds((NS - 1) * RPT, last)])


def _deg_body(dst_hbm, zeros_hbm, out_hbm, dst_v, ones_v, deg_sh):
  c = lax.axis_index("c")
  s = lax.axis_index("s")
  wid = s * NC + c
  pltpu.sync_copy(zeros_hbm.at[pl.ds(s * RPT, RPT)],
                  deg_sh.at[pl.ds(s * RPT, RPT)])
  pltpu.sync_copy(dst_hbm.at[wid], dst_v)

  def fill(i, carry):
    ones_v[i, :] = jnp.ones((16,), jnp.float32)
    return carry

  lax.fori_loop(0, C, fill, 0)
  plsc.subcore_barrier()

  def body(j, carry):
    pltpu.sync_copy(ones_v, deg_sh.at[dst_v.at[j]], add=True)
    return carry

  lax.fori_loop(0, KD, body, 0)
  plsc.subcore_barrier()
  _striped_copy(s, deg_sh, out_hbm.at[c], OLAST)


_sc_deg = pl.kernel(
    _deg_body,
    out_type=jax.ShapeDtypeStruct((NC, N, 16), jnp.float32),
    mesh=_mesh,
    scratch_types=[
        pltpu.VMEM((KD, C), jnp.int32),
        pltpu.VMEM((C, 16), jnp.float32),
        pltpu.VMEM_SHARED((NPAD, 16), jnp.float32),
    ],
)


def _agg_body(zflat_hbm, src_hbm, dst_hbm, zeros_hbm, out_hbm,
              src_v, dst_v, bufs, gsems, acc):
  c = lax.axis_index("c")
  s = lax.axis_index("s")
  _striped_copy(s, zeros_hbm, acc, ALAST)
  pltpu.sync_copy(src_hbm.at[c, s], src_v)
  pltpu.sync_copy(dst_hbm.at[s], dst_v)
  plsc.subcore_barrier()

  for b in range(NB):
    pltpu.async_copy(zflat_hbm.at[src_v.at[b]], bufs[b], gsems[b])

  def body(g, carry):
    j = g * NB
    for b in range(NB):
      pltpu.make_async_copy(zflat_hbm.at[src_v.at[j + b]], bufs[b],
                            gsems[b]).wait()
      pltpu.sync_copy(bufs[b], acc.at[dst_v.at[j + b]], add=True)

      @pl.when(g < KA // NB - 1)
      def _():
        pltpu.async_copy(zflat_hbm.at[src_v.at[j + NB + b]], bufs[b],
                         gsems[b])

    return carry

  lax.fori_loop(0, KA // NB, body, 0)
  plsc.subcore_barrier()
  _striped_copy(s, acc, out_hbm.at[c], OLAST)


_sc_agg = pl.kernel(
    _agg_body,
    out_type=jax.ShapeDtypeStruct((NC, N, HCH), jnp.float32),
    mesh=_mesh,
    scratch_types=[
        pltpu.VMEM((KA, C), jnp.int32),
        pltpu.VMEM((KA, C), jnp.int32),
        [pltpu.VMEM((C, HCH), jnp.float32) for _ in range(NB)],
        [pltpu.SemaphoreType.DMA for _ in range(NB)],
        pltpu.VMEM_SHARED((APAD, HCH), jnp.float32),
    ],
    compiler_params=pltpu.CompilerParams(use_tc_tiling_on_sc=False),
)


BN = 1000


def _scale_body(x_ref, d_ref, z_ref):
  deg = 1.0 + d_ref[0, :, 0:1] + d_ref[1, :, 0:1]
  dinv = 1.0 / jnp.sqrt(deg)
  z_ref[0] = x_ref[:, :HCH] * dinv
  z_ref[1] = x_ref[:, HCH:] * dinv


_tc_scale = pl.pallas_call(
    _scale_body,
    grid=(N // BN,),
    in_specs=[
        pl.BlockSpec((BN, CH), lambda i: (i, 0)),
        pl.BlockSpec((NC, BN, 16), lambda i: (0, i, 0)),
    ],
    out_specs=pl.BlockSpec((NC, BN, HCH), lambda i: (0, i, 0)),
    out_shape=jax.ShapeDtypeStruct((NC, N, HCH), jnp.float32),
)


def _final_body(a_ref, z_ref, d_ref, w_ref, b_ref, o_ref):
  deg = 1.0 + d_ref[0, :, 0:1] + d_ref[1, :, 0:1]
  agg = jnp.concatenate([a_ref[0] + z_ref[0], a_ref[1] + z_ref[1]], axis=1)
  t = agg * (1.0 / jnp.sqrt(deg))
  o_ref[...] = jnp.dot(t, w_ref[...], precision=lax.Precision.HIGHEST,
                       preferred_element_type=jnp.float32) + b_ref[...]


_tc_final = pl.pallas_call(
    _final_body,
    grid=(N // BN,),
    in_specs=[
        pl.BlockSpec((NC, BN, HCH), lambda i: (0, i, 0)),
        pl.BlockSpec((NC, BN, HCH), lambda i: (0, i, 0)),
        pl.BlockSpec((NC, BN, 16), lambda i: (0, i, 0)),
        pl.BlockSpec((CH, CH), lambda i: (0, 0)),
        pl.BlockSpec((1, CH), lambda i: (0, 0)),
    ],
    out_specs=pl.BlockSpec((BN, CH), lambda i: (i, 0)),
    out_shape=jax.ShapeDtypeStruct((N, CH), jnp.float32),
)


@jax.jit
def kernel(x, edge_index, W, b):
  src = edge_index[0].astype(jnp.int32)
  dst = edge_index[1].astype(jnp.int32)

  epd = E // NW
  dstd = jnp.concatenate(
      [dst.reshape(NW, epd),
       jnp.full((NW, KD * C - epd), N, jnp.int32)], axis=1).reshape(NW, KD, C)

  epa = E // NS
  pada = KA * C - epa
  srca = jnp.concatenate(
      [src.reshape(NS, epa),
       jnp.zeros((NS, pada), jnp.int32)], axis=1).reshape(NS, KA, C)
  srcb = jnp.stack([srca, srca + N])
  dsta = jnp.concatenate(
      [dst.reshape(NS, epa),
       jnp.full((NS, pada), N, jnp.int32)], axis=1).reshape(NS, KA, C)

  zeros8 = jnp.zeros((NPAD, 16), jnp.float32)
  zeros64 = jnp.zeros((APAD, HCH), jnp.float32)

  degp = _sc_deg(dstd, zeros8)
  zs = _tc_scale(x, degp)
  accp = _sc_agg(zs.reshape(NC * N, HCH), srcb, dsta, zeros64)
  out = _tc_final(accp, zs, degp, W, b.reshape(1, CH))
  return out

# --- scband reference (transcript-rebuilt; emitter-appended) ---
"""Pipeline reference for scband-gcnmodel-78159814852848 (READ-ONLY COPY).

The authoritative reference and input builder live on the scoring server;
editing this copy changes nothing except your own understanding.
"""

import jax, jax.numpy as jnp
import numpy as np

N_NODES = 10000
N_EDGES = 320000
IN_CH = 128
OUT_CH = 128


def setup_inputs(seed: int = 0) -> dict:
    key = jax.random.key(seed)
    k1, k2, k3, k4 = jax.random.split(key, 4)
    x = jax.random.normal(k1, (N_NODES, IN_CH), dtype=jnp.float32)
    edge_index = jax.random.randint(k2, (2, N_EDGES), 0, N_NODES, dtype=jnp.int64)
    # GCNConv linear weight (glorot) and bias
    limit = float(np.sqrt(6.0 / (IN_CH + OUT_CH)))
    W = jax.random.uniform(k3, (IN_CH, OUT_CH), dtype=jnp.float32, minval=-limit, maxval=limit)
    b = jnp.zeros((OUT_CH,), dtype=jnp.float32)
    return {"x": x, "edge_index": edge_index, "W": W, "b": b}


def reference(x, edge_index, W, b):
    # Faithful GCNConv (PyG): add self-loops, symmetric normalization,
    # linear transform, scatter-add aggregation over dst, add bias.
    N = x.shape[0]
    loop = jnp.arange(N, dtype=edge_index.dtype)
    ei = jnp.concatenate([edge_index, jnp.stack([loop, loop], axis=0)], axis=1)
    src, dst = ei[0], ei[1]
    # degree computed on dst (col) with edge weight 1.0, incl. self-loops
    deg = jnp.zeros((N,), dtype=jnp.float32).at[dst].add(1.0)
    deg_inv_sqrt = jnp.where(deg > 0, deg ** -0.5, 0.0)
    norm = deg_inv_sqrt[src] * deg_inv_sqrt[dst]
    h = x @ W
    msg = h[src] * norm[:, None]
    out = jnp.zeros((N, W.shape[1]), dtype=jnp.float32).at[dst].add(msg)
    out = out + b
    return out

if __name__ == "__main__":
    import jax
    _d = setup_inputs()
    print(jax.jit(kernel)(*tuple(_d.values())))

</pallas_src>

<mosaic_0001>
#map = affine_map<(d0, d1) -> (0, 0)>
#map1 = affine_map<(d0, d1) -> (0, 0, 0, 0)>
#map2 = affine_map<(d0, d1) -> (0, 0, 0)>
module attributes {stable_mosaic.version = 14 : i64} {
  func.func @_agg_body(%arg0: i32, %arg1: i32, %arg2: memref<20000x64xf32, #tpu.memory_space<hbm>>, %arg3: memref<2x16x160x128xi32, #tpu.memory_space<hbm>>, %arg4: memref<16x160x128xi32, #tpu.memory_space<hbm>>, %arg5: memref<10008x64xf32, #tpu.memory_space<hbm>>, %arg6: memref<2x10000x64xf32, #tpu.memory_space<hbm>>, %arg7: memref<160x128xi32, #tpu.memory_space<vmem>>, %arg8: memref<160x128xi32, #tpu.memory_space<vmem>>, %arg9: memref<128x64xf32, #tpu.memory_space<vmem>>, %arg10: memref<128x64xf32, #tpu.memory_space<vmem>>, %arg11: memref<128x64xf32, #tpu.memory_space<vmem>>, %arg12: memref<128x64xf32, #tpu.memory_space<vmem>>, %arg13: memref<!tpu.dma_semaphore, #tpu.memory_space<semaphore_mem>>, %arg14: memref<!tpu.dma_semaphore, #tpu.memory_space<semaphore_mem>>, %arg15: memref<!tpu.dma_semaphore, #tpu.memory_space<semaphore_mem>>, %arg16: memref<!tpu.dma_semaphore, #tpu.memory_space<semaphore_mem>>, %arg17: memref<10008x64xf32, #tpu.memory_space<vmem_shared>>) attributes {dimension_semantics = [#tpu.dimension_semantics<core_parallel>, #tpu.dimension_semantics<subcore_parallel>], iteration_bounds = array<i64: 2, 16>, scalar_prefetch = 0 : i64, scratch_operands = 11 : i64, tpu.core_type = #tpu.core_type<sc_vector_subcore>, window_params = [{transform_indices = #map}, {transform_indices = #map1}, {transform_indices = #map2}, {transform_indices = #map}, {transform_indices = #map2}]} {
    %lt3A = arith.constant 15 : i32
    %lt3A_0 = arith.cmpi slt, %arg1, %lt3A : i32
    %convert_element_type3A = arith.extui %lt3A_0 : i1 to i32
    %cond3A = arith.constant 0 : i32
    %cond3A_1 = arith.cmpi ne, %convert_element_type3A, %cond3A : i32
    scf.if %cond3A_1 {
      %mul3A = arith.constant 632 : i32
      %mul3A_49 = arith.muli %arg1, %mul3A : i32
      %mul3A_50 = arith.constant 632 : i32
      %mul3A_51 = arith.muli %arg1, %mul3A_50 : i32
      "tpu.region"() ({
        %run_scoped3A = tpu.sem_alloc : memref<!tpu.dma_semaphore, #tpu.memory_space<semaphore_mem>>
        %dma_start3A_52 = arith.constant 0 : i32
        %dma_start3A_53 = tpu.memref_slice %arg17[%mul3A_51, %dma_start3A_52] : memref<10008x64xf32, #tpu.memory_space<vmem_shared>> -> memref<632x64xf32, #tpu.memory_space<vmem_shared>>
        %dma_start3A_54 = arith.constant 0 : i32
        %dma_start3A_55 = tpu.memref_slice %arg5[%mul3A_49, %dma_start3A_54] : memref<10008x64xf32, #tpu.memory_space<hbm>> -> memref<632x64xf32, #tpu.memory_space<hbm>>
        tpu.enqueue_dma source(%dma_start3A_55 : memref<632x64xf32, #tpu.memory_space<hbm>>) target(%dma_start3A_53 : memref<632x64xf32, #tpu.memory_space<vmem_shared>>) target_semaphore(%run_scoped3A : memref<!tpu.dma_semaphore, #tpu.memory_space<semaphore_mem>>)
        %dma_wait3A = arith.constant 0 : i32
        %dma_wait3A_56 = tpu.memref_slice %arg17[%mul3A_51, %dma_wait3A] : memref<10008x64xf32, #tpu.memory_space<vmem_shared>> -> memref<632x64xf32, #tpu.memory_space<vmem_shared>>
        %dma_wait3A_57 = arith.constant 0 : i32
        %dma_wait3A_58 = tpu.memref_slice %arg5[%mul3A_49, %dma_wait3A_57] : memref<10008x64xf32, #tpu.memory_space<hbm>> -> memref<632x64xf32, #tpu.memory_space<hbm>>
        tpu.wait_dma2 semaphore(%run_scoped3A : memref<!tpu.dma_semaphore, #tpu.memory_space<semaphore_mem>>) src(%dma_wait3A_58 : memref<632x64xf32, #tpu.memory_space<hbm>>) dst(%dma_wait3A_56 : memref<632x64xf32, #tpu.memory_space<vmem_shared>>)
        tpu.yield
      }) : () -> ()
    } else {
    }
    %eq3A = arith.constant 15 : i32
    %eq3A_2 = arith.cmpi eq, %arg1, %eq3A : i32
    %convert_element_type3A_3 = arith.extui %eq3A_2 : i1 to i32
    %cond3A_4 = arith.constant 0 : i32
    %cond3A_5 = arith.cmpi ne, %convert_element_type3A_3, %cond3A_4 : i32
    scf.if %cond3A_5 {
      "tpu.region"() ({
        %run_scoped3A = tpu.sem_alloc : memref<!tpu.dma_semaphore, #tpu.memory_space<semaphore_mem>>
        %dma_start3A_49 = arith.constant 9480 : i32
        %dma_start3A_50 = arith.constant 0 : i32
        %dma_start3A_51 = tpu.memref_slice %arg17[%dma_start3A_49, %dma_start3A_50] : memref<10008x64xf32, #tpu.memory_space<vmem_shared>> -> memref<528x64xf32, #tpu.memory_space<vmem_shared>>
        %dma_start3A_52 = arith.constant 9480 : i32
        %dma_start3A_53 = arith.constant 0 : i32
        %dma_start3A_54 = tpu.memref_slice %arg5[%dma_start3A_52, %dma_start3A_53] : memref<10008x64xf32, #tpu.memory_space<hbm>> -> memref<528x64xf32, #tpu.memory_space<hbm>>
        tpu.enqueue_dma source(%dma_start3A_54 : memref<528x64xf32, #tpu.memory_space<hbm>>) target(%dma_start3A_51 : memref<528x64xf32, #tpu.memory_space<vmem_shared>>) target_semaphore(%run_scoped3A : memref<!tpu.dma_semaphore, #tpu.memory_space<semaphore_mem>>)
        %dma_wait3A = arith.constant 9480 : i32
        %dma_wait3A_55 = arith.constant 0 : i32
        %dma_wait3A_56 = tpu.memref_slice %arg17[%dma_wait3A, %dma_wait3A_55] : memref<10008x64xf32, #tpu.memory_space<vmem_shared>> -> memref<528x64xf32, #tpu.memory_space<vmem_shared>>
        %dma_wait3A_57 = arith.constant 9480 : i32
        %dma_wait3A_58 = arith.constant 0 : i32
        %dma_wait3A_59 = tpu.memref_slice %arg5[%dma_wait3A_57, %dma_wait3A_58] : memref<10008x64xf32, #tpu.memory_space<hbm>> -> memref<528x64xf32, #tpu.memory_space<hbm>>
        tpu.wait_dma2 semaphore(%run_scoped3A : memref<!tpu.dma_semaphore, #tpu.memory_space<semaphore_mem>>) src(%dma_wait3A_59 : memref<528x64xf32, #tpu.memory_space<hbm>>) dst(%dma_wait3A_56 : memref<528x64xf32, #tpu.memory_space<vmem_shared>>)
        tpu.yield
      }) : () -> ()
    } else {
    }
    "tpu.region"() ({
      %run_scoped3A = tpu.sem_alloc : memref<!tpu.dma_semaphore, #tpu.memory_space<semaphore_mem>>
      %dma_start3A_49 = arith.constant 0 : i32
      %dma_start3A_50 = arith.constant 0 : i32
      %dma_start3A_51 = tpu.memref_slice %arg3[%arg0, %arg1, %dma_start3A_49, %dma_start3A_50] : memref<2x16x160x128xi32, #tpu.memory_space<hbm>> -> memref<1x1x160x128xi32, #tpu.memory_space<hbm>>
      %dma_start3A_52 = tpu.memref_squeeze %dma_start3A_51 : memref<1x1x160x128xi32, #tpu.memory_space<hbm>> -> memref<160x128xi32, #tpu.memory_space<hbm>>
      %dma_start3A_53 = arith.constant 0 : i32
      %dma_start3A_54 = arith.constant 0 : i32
      %dma_start3A_55 = tpu.memref_slice %arg3[%arg0, %arg1, %dma_start3A_53, %dma_start3A_54] : memref<2x16x160x128xi32, #tpu.memory_space<hbm>> -> memref<1x1x160x128xi32, #tpu.memory_space<hbm>>
      %dma_start3A_56 = tpu.memref_squeeze %dma_start3A_55 : memref<1x1x160x128xi32, #tpu.memory_space<hbm>> -> memref<160x128xi32, #tpu.memory_space<hbm>>
      tpu.enqueue_dma source(%dma_start3A_56 : memref<160x128xi32, #tpu.memory_space<hbm>>) target(%arg7 : memref<160x128xi32, #tpu.memory_space<vmem>>) target_semaphore(%run_scoped3A : memref<!tpu.dma_semaphore, #tpu.memory_space<semaphore_mem>>)
      %dma_wait3A = arith.constant 0 : i32
      %dma_wait3A_57 = arith.constant 0 : i32
      %dma_wait3A_58 = tpu.memref_slice %arg3[%arg0, %arg1, %dma_wait3A, %dma_wait3A_57] : memref<2x16x160x128xi32, #tpu.memory_space<hbm>> -> memref<1x1x160x128xi32, #tpu.memory_space<hbm>>
      %dma_wait3A_59 = tpu.memref_squeeze %dma_wait3A_58 : memref<1x1x160x128xi32, #tpu.memory_space<hbm>> -> memref<160x128xi32, #tpu.memory_space<hbm>>
      %dma_wait3A_60 = arith.constant 0 : i32
      %dma_wait3A_61 = arith.constant 0 : i32
      %dma_wait3A_62 = tpu.memref_slice %arg3[%arg0, %arg1, %dma_wait3A_60, %dma_wait3A_61] : memref<2x16x160x128xi32, #tpu.memory_space<hbm>> -> memref<1x1x160x128xi32, #tpu.memory_space<hbm>>
      %dma_wait3A_63 = tpu.memref_squeeze %dma_wait3A_62 : memref<1x1x160x128xi32, #tpu.memory_space<hbm>> -> memref<160x128xi32, #tpu.memory_space<hbm>>
      tpu.wait_dma2 semaphore(%run_scoped3A : memref<!tpu.dma_semaphore, #tpu.memory_space<semaphore_mem>>) src(%dma_wait3A_63 : memref<160x128xi32, #tpu.memory_space<hbm>>) dst(%arg7 : memref<160x128xi32, #tpu.memory_space<vmem>>)
      tpu.yield
    }) : () -> ()
    "tpu.region"() ({
      %run_scoped3A = tpu.sem_alloc : memref<!tpu.dma_semaphore, #tpu.memory_space<semaphore_mem>>
      %dma_start3A_49 = arith.constant 0 : i32
      %dma_start3A_50 = arith.constant 0 : i32
      %dma_start3A_51 = tpu.memref_slice %arg4[%arg1, %dma_start3A_49, %dma_start3A_50] : memref<16x160x128xi32, #tpu.memory_space<hbm>> -> memref<1x160x128xi32, #tpu.memory_space<hbm>>
      %dma_start3A_52 = tpu.memref_squeeze %dma_start3A_51 : memref<1x160x128xi32, #tpu.memory_space<hbm>> -> memref<160x128xi32, #tpu.memory_space<hbm>>
      %dma_start3A_53 = arith.constant 0 : i32
      %dma_start3A_54 = arith.constant 0 : i32
      %dma_start3A_55 = tpu.memref_slice %arg4[%arg1, %dma_start3A_53, %dma_start3A_54] : memref<16x160x128xi32, #tpu.memory_space<hbm>> -> memref<1x160x128xi32, #tpu.memory_space<hbm>>
      %dma_start3A_56 = tpu.memref_squeeze %dma_start3A_55 : memref<1x160x128xi32, #tpu.memory_space<hbm>> -> memref<160x128xi32, #tpu.memory_space<hbm>>
      tpu.enqueue_dma source(%dma_start3A_56 : memref<160x128xi32, #tpu.memory_space<hbm>>) target(%arg8 : memref<160x128xi32, #tpu.memory_space<vmem>>) target_semaphore(%run_scoped3A : memref<!tpu.dma_semaphore, #tpu.memory_space<semaphore_mem>>)
      %dma_wait3A = arith.constant 0 : i32
      %dma_wait3A_57 = arith.constant 0 : i32
      %dma_wait3A_58 = tpu.memref_slice %arg4[%arg1, %dma_wait3A, %dma_wait3A_57] : memref<16x160x128xi32, #tpu.memory_space<hbm>> -> memref<1x160x128xi32, #tpu.memory_space<hbm>>
      %dma_wait3A_59 = tpu.memref_squeeze %dma_wait3A_58 : memref<1x160x128xi32, #tpu.memory_space<hbm>> -> memref<160x128xi32, #tpu.memory_space<hbm>>
      %dma_wait3A_60 = arith.constant 0 : i32
      %dma_wait3A_61 = arith.constant 0 : i32
      %dma_wait3A_62 = tpu.memref_slice %arg4[%arg1, %dma_wait3A_60, %dma_wait3A_61] : memref<16x160x128xi32, #tpu.memory_space<hbm>> -> memref<1x160x128xi32, #tpu.memory_space<hbm>>
      %dma_wait3A_63 = tpu.memref_squeeze %dma_wait3A_62 : memref<1x160x128xi32, #tpu.memory_space<hbm>> -> memref<160x128xi32, #tpu.memory_space<hbm>>
      tpu.wait_dma2 semaphore(%run_scoped3A : memref<!tpu.dma_semaphore, #tpu.memory_space<semaphore_mem>>) src(%dma_wait3A_63 : memref<160x128xi32, #tpu.memory_space<hbm>>) dst(%arg8 : memref<160x128xi32, #tpu.memory_space<vmem>>)
      tpu.yield
    }) : () -> ()
    %barrier3A = arith.constant 0 : index
    tpu.barrier barrier_id(%barrier3A)
    %dma_start3A = arith.constant 0 : i32
    %dma_start3A_6 = arith.constant 0 : i32
    %dma_start3A_7 = tpu.memref_slice %arg7[%dma_start3A, %dma_start3A_6] : memref<160x128xi32, #tpu.memory_space<vmem>> -> memref<1x128xi32, #tpu.memory_space<vmem>>
    %dma_start3A_8 = tpu.memref_squeeze %dma_start3A_7 : memref<1x128xi32, #tpu.memory_space<vmem>> -> memref<128xi32, #tpu.memory_space<vmem>>
    %dma_start3A_9 = arith.constant 0 : i32
    %dma_start3A_10 = arith.constant 0 : i32
    %dma_start3A_11 = tpu.memref_slice %arg2[%dma_start3A_9, %dma_start3A_10] : memref<20000x64xf32, #tpu.memory_space<hbm>> -> memref<20000x64xf32, #tpu.memory_space<hbm>>
    tpu.enqueue_indirect_dma source(%dma_start3A_11 : memref<20000x64xf32, #tpu.memory_space<hbm>>) target(%arg9 : memref<128x64xf32, #tpu.memory_space<vmem>>) offsets(%dma_start3A_8 : memref<128xi32, #tpu.memory_space<vmem>>) semaphore(%arg13 : memref<!tpu.dma_semaphore, #tpu.memory_space<semaphore_mem>>)
    %dma_start3A_12 = arith.constant 1 : i32
    %dma_start3A_13 = arith.constant 0 : i32
    %dma_start3A_14 = tpu.memref_slice %arg7[%dma_start3A_12, %dma_start3A_13] : memref<160x128xi32, #tpu.memory_space<vmem>> -> memref<1x128xi32, #tpu.memory_space<vmem>>
    %dma_start3A_15 = tpu.memref_squeeze %dma_start3A_14 : memref<1x128xi32, #tpu.memory_space<vmem>> -> memref<128xi32, #tpu.memory_space<vmem>>
    %dma_start3A_16 = arith.constant 0 : i32
    %dma_start3A_17 = arith.constant 0 : i32
    %dma_start3A_18 = tpu.memref_slice %arg2[%dma_start3A_16, %dma_start3A_17] : memref<20000x64xf32, #tpu.memory_space<hbm>> -> memref<20000x64xf32, #tpu.memory_space<hbm>>
    tpu.enqueue_indirect_dma source(%dma_start3A_18 : memref<20000x64xf32, #tpu.memory_space<hbm>>) target(%arg10 : memref<128x64xf32, #tpu.memory_space<vmem>>) offsets(%dma_start3A_15 : memref<128xi32, #tpu.memory_space<vmem>>) semaphore(%arg14 : memref<!tpu.dma_semaphore, #tpu.memory_space<semaphore_mem>>)
    %dma_start3A_19 = arith.constant 2 : i32
    %dma_start3A_20 = arith.constant 0 : i32
    %dma_start3A_21 = tpu.memref_slice %arg7[%dma_start3A_19, %dma_start3A_20] : memref<160x128xi32, #tpu.memory_space<vmem>> -> memref<1x128xi32, #tpu.memory_space<vmem>>
    %dma_start3A_22 = tpu.memref_squeeze %dma_start3A_21 : memref<1x128xi32, #tpu.memory_space<vmem>> -> memref<128xi32, #tpu.memory_space<vmem>>
    %dma_start3A_23 = arith.constant 0 : i32
    %dma_start3A_24 = arith.constant 0 : i32
    %dma_start3A_25 = tpu.memref_slice %arg2[%dma_start3A_23, %dma_start3A_24] : memref<20000x64xf32, #tpu.memory_space<hbm>> -> memref<20000x64xf32, #tpu.memory_space<hbm>>
    tpu.enqueue_indirect_dma source(%dma_start3A_25 : memref<20000x64xf32, #tpu.memory_space<hbm>>) target(%arg11 : memref<128x64xf32, #tpu.memory_space<vmem>>) offsets(%dma_start3A_22 : memref<128xi32, #tpu.memory_space<vmem>>) semaphore(%arg15 : memref<!tpu.dma_semaphore, #tpu.memory_space<semaphore_mem>>)
    %dma_start3A_26 = arith.constant 3 : i32
    %dma_start3A_27 = arith.constant 0 : i32
    %dma_start3A_28 = tpu.memref_slice %arg7[%dma_start3A_26, %dma_start3A_27] : memref<160x128xi32, #tpu.memory_space<vmem>> -> memref<1x128xi32, #tpu.memory_space<vmem>>
    %dma_start3A_29 = tpu.memref_squeeze %dma_start3A_28 : memref<1x128xi32, #tpu.memory_space<vmem>> -> memref<128xi32, #tpu.memory_space<vmem>>
    %dma_start3A_30 = arith.constant 0 : i32
    %dma_start3A_31 = arith.constant 0 : i32
    %dma_start3A_32 = tpu.memref_slice %arg2[%dma_start3A_30, %dma_start3A_31] : memref<20000x64xf32, #tpu.memory_space<hbm>> -> memref<20000x64xf32, #tpu.memory_space<hbm>>
    tpu.enqueue_indirect_dma source(%dma_start3A_32 : memref<20000x64xf32, #tpu.memory_space<hbm>>) target(%arg12 : memref<128x64xf32, #tpu.memory_space<vmem>>) offsets(%dma_start3A_29 : memref<128xi32, #tpu.memory_space<vmem>>) semaphore(%arg16 : memref<!tpu.dma_semaphore, #tpu.memory_space<semaphore_mem>>)
    %scan3A = arith.constant 0 : i32
    %scan3A_33 = arith.constant 0 : i32
    %scan3A_34 = arith.constant 40 : i32
    %scan3A_35 = arith.addi %scan3A_33, %scan3A_34 : i32
    %scan3A_36 = arith.constant 1 : i32
    scf.for %scan3A_49 = %scan3A_33 to %scan3A_35 step %scan3A_36  : i32 {
      %mul3A = arith.constant 4 : i32
      %mul3A_50 = arith.muli %scan3A_49, %mul3A : i32
      %add3A = arith.constant 0 : i32
      %add3A_51 = arith.addi %mul3A_50, %add3A : i32
      %dma_wait3A = arith.constant 0 : i32
      %dma_wait3A_52 = tpu.memref_slice %arg7[%add3A_51, %dma_wait3A] : memref<160x128xi32, #tpu.memory_space<vmem>> -> memref<1x128xi32, #tpu.memory_space<vmem>>
      %dma_wait3A_53 = tpu.memref_squeeze %dma_wait3A_52 : memref<1x128xi32, #tpu.memory_space<vmem>> -> memref<128xi32, #tpu.memory_space<vmem>>
      %dma_wait3A_54 = arith.constant 0 : i32
      %dma_wait3A_55 = arith.constant 0 : i32
      %dma_wait3A_56 = tpu.memref_slice %arg2[%dma_wait3A_54, %dma_wait3A_55] : memref<20000x64xf32, #tpu.memory_space<hbm>> -> memref<20000x64xf32, #tpu.memory_space<hbm>>
      tpu.wait_indirect_dma semaphore(%arg13 : memref<!tpu.dma_semaphore, #tpu.memory_space<semaphore_mem>>) src(%dma_wait3A_56 : memref<20000x64xf32, #tpu.memory_space<hbm>>) dst(%arg9 : memref<128x64xf32, #tpu.memory_space<vmem>>)
      %add3A_57 = arith.constant 0 : i32
      %add3A_58 = arith.addi %mul3A_50, %add3A_57 : i32
      "tpu.region"() ({
        %run_scoped3A = tpu.sem_alloc : memref<!tpu.dma_semaphore, #tpu.memory_space<semaphore_mem>>
        %dma_start3A_109 = arith.constant 0 : i32
        %dma_start3A_110 = tpu.memref_slice %arg8[%add3A_58, %dma_start3A_109] : memref<160x128xi32, #tpu.memory_space<vmem>> -> memref<1x128xi32, #tpu.memory_space<vmem>>
        %dma_start3A_111 = tpu.memref_squeeze %dma_start3A_110 : memref<1x128xi32, #tpu.memory_space<vmem>> -> memref<128xi32, #tpu.memory_space<vmem>>
        %dma_start3A_112 = arith.constant 0 : i32
        %dma_start3A_113 = arith.constant 0 : i32
        %dma_start3A_114 = tpu.memref_slice %arg17[%dma_start3A_112, %dma_start3A_113] : memref<10008x64xf32, #tpu.memory_space<vmem_shared>> -> memref<10008x64xf32, #tpu.memory_space<vmem_shared>>
        tpu.enqueue_indirect_dma source(%arg9 : memref<128x64xf32, #tpu.memory_space<vmem>>) target(%dma_start3A_114 : memref<10008x64xf32, #tpu.memory_space<vmem_shared>>) offsets(%dma_start3A_111 : memref<128xi32, #tpu.memory_space<vmem>>) semaphore(%run_scoped3A : memref<!tpu.dma_semaphore, #tpu.memory_space<semaphore_mem>>) {add = true}
        %dma_wait3A_115 = arith.constant 0 : i32
        %dma_wait3A_116 = tpu.memref_slice %arg8[%add3A_58, %dma_wait3A_115] : memref<160x128xi32, #tpu.memory_space<vmem>> -> memref<1x128xi32, #tpu.memory_space<vmem>>
        %dma_wait3A_117 = tpu.memref_squeeze %dma_wait3A_116 : memref<1x128xi32, #tpu.memory_space<vmem>> -> memref<128xi32, #tpu.memory_space<vmem>>
        %dma_wait3A_118 = arith.constant 0 : i32
        %dma_wait3A_119 = arith.constant 0 : i32
        %dma_wait3A_120 = tpu.memref_slice %arg17[%dma_wait3A_118, %dma_wait3A_119] : memref<10008x64xf32, #tpu.memory_space<vmem_shared>> -> memref<10008x64xf32, #tpu.memory_space<vmem_shared>>
        tpu.wait_indirect_dma semaphore(%run_scoped3A : memref<!tpu.dma_semaphore, #tpu.memory_space<semaphore_mem>>) src(%arg9 : memref<128x64xf32, #tpu.memory_space<vmem>>) dst(%dma_wait3A_120 : memref<10008x64xf32, #tpu.memory_space<vmem_shared>>)
        tpu.yield
      }) : () -> ()
      %lt3A_59 = arith.constant 39 : i32
      %lt3A_60 = arith.cmpi slt, %scan3A_49, %lt3A_59 : i32
      %convert_element_type3A_61 = arith.extui %lt3A_60 : i1 to i32
      %cond3A_62 = arith.constant 0 : i32
      %cond3A_63 = arith.cmpi ne, %convert_element_type3A_61, %cond3A_62 : i32
      scf.if %cond3A_63 {
        %add3A_109 = arith.constant 4 : i32
        %add3A_110 = arith.addi %mul3A_50, %add3A_109 : i32
        %add3A_111 = arith.constant 0 : i32
        %add3A_112 = arith.addi %add3A_110, %add3A_111 : i32
        %dma_start3A_113 = arith.constant 0 : i32
        %dma_start3A_114 = tpu.memref_slice %arg7[%add3A_112, %dma_start3A_113] : memref<160x128xi32, #tpu.memory_space<vmem>> -> memref<1x128xi32, #tpu.memory_space<vmem>>
        %dma_start3A_115 = tpu.memref_squeeze %dma_start3A_114 : memref<1x128xi32, #tpu.memory_space<vmem>> -> memref<128xi32, #tpu.memory_space<vmem>>
        %dma_start3A_116 = arith.constant 0 : i32
        %dma_start3A_117 = arith.constant 0 : i32
        %dma_start3A_118 = tpu.memref_slice %arg2[%dma_start3A_116, %dma_start3A_117] : memref<20000x64xf32, #tpu.memory_space<hbm>> -> memref<20000x64xf32, #tpu.memory_space<hbm>>
        tpu.enqueue_indirect_dma source(%dma_start3A_118 : memref<20000x64xf32, #tpu.memory_space<hbm>>) target(%arg9 : memref<128x64xf32, #tpu.memory_space<vmem>>) offsets(%dma_start3A_115 : memref<128xi32, #tpu.memory_space<vmem>>) semaphore(%arg13 : memref<!tpu.dma_semaphore, #tpu.memory_space<semaphore_mem>>)
      } else {
      }
      %add3A_64 = arith.constant 1 : i32
      %add3A_65 = arith.addi %mul3A_50, %add3A_64 : i32
      %dma_wait3A_66 = arith.constant 0 : i32
      %dma_wait3A_67 = tpu.memref_slice %arg7[%add3A_65, %dma_wait3A_66] : memref<160x128xi32, #tpu.memory_space<vmem>> -> memref<1x128xi32, #tpu.memory_space<vmem>>
      %dma_wait3A_68 = tpu.memref_squeeze %dma_wait3A_67 : memref<1x128xi32, #tpu.memory_space<vmem>> -> memref<128xi32, #tpu.memory_space<vmem>>
      %dma_wait3A_69 = arith.constant 0 : i32
      %dma_wait3A_70 = arith.constant 0 : i32
      %dma_wait3A_71 = tpu.memref_slice %arg2[%dma_wait3A_69, %dma_wait3A_70] : memref<20000x64xf32, #tpu.memory_space<hbm>> -> memref<20000x64xf32, #tpu.memory_space<hbm>>
      tpu.wait_indirect_dma semaphore(%arg14 : memref<!tpu.dma_semaphore, #tpu.memory_space<semaphore_mem>>) src(%dma_wait3A_71 : memref<20000x64xf32, #tpu.memory_space<hbm>>) dst(%arg10 : memref<128x64xf32, #tpu.memory_space<vmem>>)
      %add3A_72 = arith.constant 1 : i32
      %add3A_73 = arith.addi %mul3A_50, %add3A_72 : i32
      "tpu.region"() ({
        %run_scoped3A = tpu.sem_alloc : memref<!tpu.dma_semaphore, #tpu.memory_space<semaphore_mem>>
        %dma_start3A_109 = arith.constant 0 : i32
        %dma_start3A_110 = tpu.memref_slice %arg8[%add3A_73, %dma_start3A_109] : memref<160x128xi32, #tpu.memory_space<vmem>> -> memref<1x128xi32, #tpu.memory_space<vmem>>
        %dma_start3A_111 = tpu.memref_squeeze %dma_start3A_110 : memref<1x128xi32, #tpu.memory_space<vmem>> -> memref<128xi32, #tpu.memory_space<vmem>>
        %dma_start3A_112 = arith.constant 0 : i32
        %dma_start3A_113 = arith.constant 0 : i32
        %dma_start3A_114 = tpu.memref_slice %arg17[%dma_start3A_112, %dma_start3A_113] : memref<10008x64xf32, #tpu.memory_space<vmem_shared>> -> memref<10008x64xf32, #tpu.memory_space<vmem_shared>>
        tpu.enqueue_indirect_dma source(%arg10 : memref<128x64xf32, #tpu.memory_space<vmem>>) target(%dma_start3A_114 : memref<10008x64xf32, #tpu.memory_space<vmem_shared>>) offsets(%dma_start3A_111 : memref<128xi32, #tpu.memory_space<vmem>>) semaphore(%run_scoped3A : memref<!tpu.dma_semaphore, #tpu.memory_space<semaphore_mem>>) {add = true}
        %dma_wait3A_115 = arith.constant 0 : i32
        %dma_wait3A_116 = tpu.memref_slice %arg8[%add3A_73, %dma_wait3A_115] : memref<160x128xi32, #tpu.memory_space<vmem>> -> memref<1x128xi32, #tpu.memory_space<vmem>>
        %dma_wait3A_117 = tpu.memref_squeeze %dma_wait3A_116 : memref<1x128xi32, #tpu.memory_space<vmem>> -> memref<128xi32, #tpu.memory_space<vmem>>
        %dma_wait3A_118 = arith.constant 0 : i32
        %dma_wait3A_119 = arith.constant 0 : i32
        %dma_wait3A_120 = tpu.memref_slice %arg17[%dma_wait3A_118, %dma_wait3A_119] : memref<10008x64xf32, #tpu.memory_space<vmem_shared>> -> memref<10008x64xf32, #tpu.memory_space<vmem_shared>>
        tpu.wait_indirect_dma semaphore(%run_scoped3A : memref<!tpu.dma_semaphore, #tpu.memory_space<semaphore_mem>>) src(%arg10 : memref<128x64xf32, #tpu.memory_space<vmem>>) dst(%dma_wait3A_120 : memref<10008x64xf32, #tpu.memory_space<vmem_shared>>)
        tpu.yield
      }) : () -> ()
      %lt3A_74 = arith.constant 39 : i32
      %lt3A_75 = arith.cmpi slt, %scan3A_49, %lt3A_74 : i32
      %convert_element_type3A_76 = arith.extui %lt3A_75 : i1 to i32
      %cond3A_77 = arith.constant 0 : i32
      %cond3A_78 = arith.cmpi ne, %convert_element_type3A_76, %cond3A_77 : i32
      scf.if %cond3A_78 {
        %add3A_109 = arith.constant 4 : i32
        %add3A_110 = arith.addi %mul3A_50, %add3A_109 : i32
        %add3A_111 = arith.constant 1 : i32
        %add3A_112 = arith.addi %add3A_110, %add3A_111 : i32
        %dma_start3A_113 = arith.constant 0 : i32
        %dma_start3A_114 = tpu.memref_slice %arg7[%add3A_112, %dma_start3A_113] : memref<160x128xi32, #tpu.memory_space<vmem>> -> memref<1x128xi32, #tpu.memory_space<vmem>>
        %dma_start3A_115 = tpu.memref_squeeze %dma_start3A_114 : memref<1x128xi32, #tpu.memory_space<vmem>> -> memref<128xi32, #tpu.memory_space<vmem>>
        %dma_start3A_116 = arith.constant 0 : i32
        %dma_start3A_117 = arith.constant 0 : i32
        %dma_start3A_118 = tpu.memref_slice %arg2[%dma_start3A_116, %dma_start3A_117] : memref<20000x64xf32, #tpu.memory_space<hbm>> -> memref<20000x64xf32, #tpu.memory_space<hbm>>
        tpu.enqueue_indirect_dma source(%dma_start3A_118 : memref<20000x64xf32, #tpu.memory_space<hbm>>) target(%arg10 : memref<128x64xf32, #tpu.memory_space<vmem>>) offsets(%dma_start3A_115 : memref<128xi32, #tpu.memory_space<vmem>>) semaphore(%arg14 : memref<!tpu.dma_semaphore, #tpu.memory_space<semaphore_mem>>)
      } else {
      }
      %add3A_79 = arith.constant 2 : i32
      %add3A_80 = arith.addi %mul3A_50, %add3A_79 : i32
      %dma_wait3A_81 = arith.constant 0 : i32
      %dma_wait3A_82 = tpu.memref_slice %arg7[%add3A_80, %dma_wait3A_81] : memref<160x128xi32, #tpu.memory_space<vmem>> -> memref<1x128xi32, #tpu.memory_space<vmem>>
      %dma_wait3A_83 = tpu.memref_squeeze %dma_wait3A_82 : memref<1x128xi32, #tpu.memory_space<vmem>> -> memref<128xi32, #tpu.memory_space<vmem>>
      %dma_wait3A_84 = arith.constant 0 : i32
      %dma_wait3A_85 = arith.constant 0 : i32
      %dma_wait3A_86 = tpu.memref_slice %arg2[%dma_wait3A_84, %dma_wait3A_85] : memref<20000x64xf32, #tpu.memory_space<hbm>> -> memref<20000x64xf32, #tpu.memory_space<hbm>>
      tpu.wait_indirect_dma semaphore(%arg15 : memref<!tpu.dma_semaphore, #tpu.memory_space<semaphore_mem>>) src(%dma_wait3A_86 : memref<20000x64xf32, #tpu.memory_space<hbm>>) dst(%arg11 : memref<128x64xf32, #tpu.memory_space<vmem>>)
      %add3A_87 = arith.constant 2 : i32
      %add3A_88 = arith.addi %mul3A_50, %add3A_87 : i32
      "tpu.region"() ({
        %run_scoped3A = tpu.sem_alloc : memref<!tpu.dma_semaphore, #tpu.memory_space<semaphore_mem>>
        %dma_start3A_109 = arith.constant 0 : i32
        %dma_start3A_110 = tpu.memref_slice %arg8[%add3A_88, %dma_start3A_109] : memref<160x128xi32, #tpu.memory_space<vmem>> -> memref<1x128xi32, #tpu.memory_space<vmem>>
        %dma_start3A_111 = tpu.memref_squeeze %dma_start3A_110 : memref<1x128xi32, #tpu.memory_space<vmem>> -> memref<128xi32, #tpu.memory_space<vmem>>
        %dma_start3A_112 = arith.constant 0 : i32
        %dma_start3A_113 = arith.constant 0 : i32
        %dma_start3A_114 = tpu.memref_slice %arg17[%dma_start3A_112, %dma_start3A_113] : memref<10008x64xf32, #tpu.memory_space<vmem_shared>> -> memref<10008x64xf32, #tpu.memory_space<vmem_shared>>
        tpu.enqueue_indirect_dma source(%arg11 : memref<128x64xf32, #tpu.memory_space<vmem>>) target(%dma_start3A_114 : memref<10008x64xf32, #tpu.memory_space<vmem_shared>>) offsets(%dma_start3A_111 : memref<128xi32, #tpu.memory_space<vmem>>) semaphore(%run_scoped3A : memref<!tpu.dma_semaphore, #tpu.memory_space<semaphore_mem>>) {add = true}
        %dma_wait3A_115 = arith.constant 0 : i32
        %dma_wait3A_116 = tpu.memref_slice %arg8[%add3A_88, %dma_wait3A_115] : memref<160x128xi32, #tpu.memory_space<vmem>> -> memref<1x128xi32, #tpu.memory_space<vmem>>
        %dma_wait3A_117 = tpu.memref_squeeze %dma_wait3A_116 : memref<1x128xi32, #tpu.memory_space<vmem>> -> memref<128xi32, #tpu.memory_space<vmem>>
        %dma_wait3A_118 = arith.constant 0 : i32
        %dma_wait3A_119 = arith.constant 0 : i32
        %dma_wait3A_120 = tpu.memref_slice %arg17[%dma_wait3A_118, %dma_wait3A_119] : memref<10008x64xf32, #tpu.memory_space<vmem_shared>> -> memref<10008x64xf32, #tpu.memory_space<vmem_shared>>
        tpu.wait_indirect_dma semaphore(%run_scoped3A : memref<!tpu.dma_semaphore, #tpu.memory_space<semaphore_mem>>) src(%arg11 : memref<128x64xf32, #tpu.memory_space<vmem>>) dst(%dma_wait3A_120 : memref<10008x64xf32, #tpu.memory_space<vmem_shared>>)
        tpu.yield
      }) : () -> ()
      %lt3A_89 = arith.constant 39 : i32
      %lt3A_90 = arith.cmpi slt, %scan3A_49, %lt3A_89 : i32
      %convert_element_type3A_91 = arith.extui %lt3A_90 : i1 to i32
      %cond3A_92 = arith.constant 0 : i32
      %cond3A_93 = arith.cmpi ne, %convert_element_type3A_91, %cond3A_92 : i32
      scf.if %cond3A_93 {
        %add3A_109 = arith.constant 4 : i32
        %add3A_110 = arith.addi %mul3A_50, %add3A_109 : i32
        %add3A_111 = arith.constant 2 : i32
        %add3A_112 = arith.addi %add3A_110, %add3A_111 : i32
        %dma_start3A_113 = arith.constant 0 : i32
        %dma_start3A_114 = tpu.memref_slice %arg7[%add3A_112, %dma_start3A_113] : memref<160x128xi32, #tpu.memory_space<vmem>> -> memref<1x128xi32, #tpu.memory_space<vmem>>
        %dma_start3A_115 = tpu.memref_squeeze %dma_start3A_114 : memref<1x128xi32, #tpu.memory_space<vmem>> -> memref<128xi32, #tpu.memory_space<vmem>>
        %dma_start3A_116 = arith.constant 0 : i32
        %dma_start3A_117 = arith.constant 0 : i32
        %dma_start3A_118 = tpu.memref_slice %arg2[%dma_start3A_116, %dma_start3A_117] : memref<20000x64xf32, #tpu.memory_space<hbm>> -> memref<20000x64xf32, #tpu.memory_space<hbm>>
        tpu.enqueue_indirect_dma source(%dma_start3A_118 : memref<20000x64xf32, #tpu.memory_space<hbm>>) target(%arg11 : memref<128x64xf32, #tpu.memory_space<vmem>>) offsets(%dma_start3A_115 : memref<128xi32, #tpu.memory_space<vmem>>) semaphore(%arg15 : memref<!tpu.dma_semaphore, #tpu.memory_space<semaphore_mem>>)
      } else {
      }
      %add3A_94 = arith.constant 3 : i32
      %add3A_95 = arith.addi %mul3A_50, %add3A_94 : i32
      %dma_wait3A_96 = arith.constant 0 : i32
      %dma_wait3A_97 = tpu.memref_slice %arg7[%add3A_95, %dma_wait3A_96] : memref<160x128xi32, #tpu.memory_space<vmem>> -> memref<1x128xi32, #tpu.memory_space<vmem>>
      %dma_wait3A_98 = tpu.memref_squeeze %dma_wait3A_97 : memref<1x128xi32, #tpu.memory_space<vmem>> -> memref<128xi32, #tpu.memory_space<vmem>>
      %dma_wait3A_99 = arith.constant 0 : i32
      %dma_wait3A_100 = arith.constant 0 : i32
      %dma_wait3A_101 = tpu.memref_slice %arg2[%dma_wait3A_99, %dma_wait3A_100] : memref<20000x64xf32, #tpu.memory_space<hbm>> -> memref<20000x64xf32, #tpu.memory_space<hbm>>
      tpu.wait_indirect_dma semaphore(%arg16 : memref<!tpu.dma_semaphore, #tpu.memory_space<semaphore_mem>>) src(%dma_wait3A_101 : memref<20000x64xf32, #tpu.memory_space<hbm>>) dst(%arg12 : memref<128x64xf32, #tpu.memory_space<vmem>>)
      %add3A_102 = arith.constant 3 : i32
      %add3A_103 = arith.addi %mul3A_50, %add3A_102 : i32
      "tpu.region"() ({
        %run_scoped3A = tpu.sem_alloc : memref<!tpu.dma_semaphore, #tpu.memory_space<semaphore_mem>>
        %dma_start3A_109 = arith.constant 0 : i32
        %dma_start3A_110 = tpu.memref_slice %arg8[%add3A_103, %dma_start3A_109] : memref<160x128xi32, #tpu.memory_space<vmem>> -> memref<1x128xi32, #tpu.memory_space<vmem>>
        %dma_start3A_111 = tpu.memref_squeeze %dma_start3A_110 : memref<1x128xi32, #tpu.memory_space<vmem>> -> memref<128xi32, #tpu.memory_space<vmem>>
        %dma_start3A_112 = arith.constant 0 : i32
        %dma_start3A_113 = arith.constant 0 : i32
        %dma_start3A_114 = tpu.memref_slice %arg17[%dma_start3A_112, %dma_start3A_113] : memref<10008x64xf32, #tpu.memory_space<vmem_shared>> -> memref<10008x64xf32, #tpu.memory_space<vmem_shared>>
        tpu.enqueue_indirect_dma source(%arg12 : memref<128x64xf32, #tpu.memory_space<vmem>>) target(%dma_start3A_114 : memref<10008x64xf32, #tpu.memory_space<vmem_shared>>) offsets(%dma_start3A_111 : memref<128xi32, #tpu.memory_space<vmem>>) semaphore(%run_scoped3A : memref<!tpu.dma_semaphore, #tpu.memory_space<semaphore_mem>>) {add = true}
        %dma_wait3A_115 = arith.constant 0 : i32
        %dma_wait3A_116 = tpu.memref_slice %arg8[%add3A_103, %dma_wait3A_115] : memref<160x128xi32, #tpu.memory_space<vmem>> -> memref<1x128xi32, #tpu.memory_space<vmem>>
        %dma_wait3A_117 = tpu.memref_squeeze %dma_wait3A_116 : memref<1x128xi32, #tpu.memory_space<vmem>> -> memref<128xi32, #tpu.memory_space<vmem>>
        %dma_wait3A_118 = arith.constant 0 : i32
        %dma_wait3A_119 = arith.constant 0 : i32
        %dma_wait3A_120 = tpu.memref_slice %arg17[%dma_wait3A_118, %dma_wait3A_119] : memref<10008x64xf32, #tpu.memory_space<vmem_shared>> -> memref<10008x64xf32, #tpu.memory_space<vmem_shared>>
        tpu.wait_indirect_dma semaphore(%run_scoped3A : memref<!tpu.dma_semaphore, #tpu.memory_space<semaphore_mem>>) src(%arg12 : memref<128x64xf32, #tpu.memory_space<vmem>>) dst(%dma_wait3A_120 : memref<10008x64xf32, #tpu.memory_space<vmem_shared>>)
        tpu.yield
      }) : () -> ()
      %lt3A_104 = arith.constant 39 : i32
      %lt3A_105 = arith.cmpi slt, %scan3A_49, %lt3A_104 : i32
      %convert_element_type3A_106 = arith.extui %lt3A_105 : i1 to i32
      %cond3A_107 = arith.constant 0 : i32
      %cond3A_108 = arith.cmpi ne, %convert_element_type3A_106, %cond3A_107 : i32
      scf.if %cond3A_108 {
        %add3A_109 = arith.constant 4 : i32
        %add3A_110 = arith.addi %mul3A_50, %add3A_109 : i32
        %add3A_111 = arith.constant 3 : i32
        %add3A_112 = arith.addi %add3A_110, %add3A_111 : i32
        %dma_start3A_113 = arith.constant 0 : i32
        %dma_start3A_114 = tpu.memref_slice %arg7[%add3A_112, %dma_start3A_113] : memref<160x128xi32, #tpu.memory_space<vmem>> -> memref<1x128xi32, #tpu.memory_space<vmem>>
        %dma_start3A_115 = tpu.memref_squeeze %dma_start3A_114 : memref<1x128xi32, #tpu.memory_space<vmem>> -> memref<128xi32, #tpu.memory_space<vmem>>
        %dma_start3A_116 = arith.constant 0 : i32
        %dma_start3A_117 = arith.constant 0 : i32
        %dma_start3A_118 = tpu.memref_slice %arg2[%dma_start3A_116, %dma_start3A_117] : memref<20000x64xf32, #tpu.memory_space<hbm>> -> memref<20000x64xf32, #tpu.memory_space<hbm>>
        tpu.enqueue_indirect_dma source(%dma_start3A_118 : memref<20000x64xf32, #tpu.memory_space<hbm>>) target(%arg12 : memref<128x64xf32, #tpu.memory_space<vmem>>) offsets(%dma_start3A_115 : memref<128xi32, #tpu.memory_space<vmem>>) semaphore(%arg16 : memref<!tpu.dma_semaphore, #tpu.memory_space<semaphore_mem>>)
      } else {
      }
    }
    %scan3A_37 = arith.constant 40 : i32
    %barrier3A_38 = arith.constant 0 : index
    tpu.barrier barrier_id(%barrier3A_38)
    %lt3A_39 = arith.constant 15 : i32
    %lt3A_40 = arith.cmpi slt, %arg1, %lt3A_39 : i32
    %convert_element_type3A_41 = arith.extui %lt3A_40 : i1 to i32
    %cond3A_42 = arith.constant 0 : i32
    %cond3A_43 = arith.cmpi ne, %convert_element_type3A_41, %cond3A_42 : i32
    scf.if %cond3A_43 {
      %mul3A = arith.constant 632 : i32
      %mul3A_49 = arith.muli %arg1, %mul3A : i32
      %mul3A_50 = arith.constant 632 : i32
      %mul3A_51 = arith.muli %arg1, %mul3A_50 : i32
      "tpu.region"() ({
        %run_scoped3A = tpu.sem_alloc : memref<!tpu.dma_semaphore, #tpu.memory_space<semaphore_mem>>
        %dma_start3A_52 = arith.constant 0 : i32
        %dma_start3A_53 = arith.constant 0 : i32
        %dma_start3A_54 = tpu.memref_slice %arg6[%arg0, %dma_start3A_52, %dma_start3A_53] : memref<2x10000x64xf32, #tpu.memory_space<hbm>> -> memref<1x10000x64xf32, #tpu.memory_space<hbm>>
        %dma_start3A_55 = tpu.memref_squeeze %dma_start3A_54 : memref<1x10000x64xf32, #tpu.memory_space<hbm>> -> memref<10000x64xf32, #tpu.memory_space<hbm>>
        %dma_start3A_56 = arith.constant 0 : i32
        %dma_start3A_57 = tpu.memref_slice %dma_start3A_55[%mul3A_51, %dma_start3A_56] : memref<10000x64xf32, #tpu.memory_space<hbm>> -> memref<632x64xf32, #tpu.memory_space<hbm>>
        %dma_start3A_58 = arith.constant 0 : i32
        %dma_start3A_59 = tpu.memref_slice %arg17[%mul3A_49, %dma_start3A_58] : memref<10008x64xf32, #tpu.memory_space<vmem_shared>> -> memref<632x64xf32, #tpu.memory_space<vmem_shared>>
        tpu.enqueue_dma source(%dma_start3A_59 : memref<632x64xf32, #tpu.memory_space<vmem_shared>>) target(%dma_start3A_57 : memref<632x64xf32, #tpu.memory_space<hbm>>) target_semaphore(%run_scoped3A : memref<!tpu.dma_semaphore, #tpu.memory_space<semaphore_mem>>)
        %dma_wait3A = arith.constant 0 : i32
        %dma_wait3A_60 = arith.constant 0 : i32
        %dma_wait3A_61 = tpu.memref_slice %arg6[%arg0, %dma_wait3A, %dma_wait3A_60] : memref<2x10000x64xf32, #tpu.memory_space<hbm>> -> memref<1x10000x64xf32, #tpu.memory_space<hbm>>
        %dma_wait3A_62 = tpu.memref_squeeze %dma_wait3A_61 : memref<1x10000x64xf32, #tpu.memory_space<hbm>> -> memref<10000x64xf32, #tpu.memory_space<hbm>>
        %dma_wait3A_63 = arith.constant 0 : i32
        %dma_wait3A_64 = tpu.memref_slice %dma_wait3A_62[%mul3A_51, %dma_wait3A_63] : memref<10000x64xf32, #tpu.memory_space<hbm>> -> memref<632x64xf32, #tpu.memory_space<hbm>>
        %dma_wait3A_65 = arith.constant 0 : i32
        %dma_wait3A_66 = tpu.memref_slice %arg17[%mul3A_49, %dma_wait3A_65] : memref<10008x64xf32, #tpu.memory_space<vmem_shared>> -> memref<632x64xf32, #tpu.memory_space<vmem_shared>>
        tpu.wait_dma2 semaphore(%run_scoped3A : memref<!tpu.dma_semaphore, #tpu.memory_space<semaphore_mem>>) src(%dma_wait3A_66 : memref<632x64xf32, #tpu.memory_space<vmem_shared>>) dst(%dma_wait3A_64 : memref<632x64xf32, #tpu.memory_space<hbm>>)
        tpu.yield
      }) : () -> ()
    } else {
    }
    %eq3A_44 = arith.constant 15 : i32
    %eq3A_45 = arith.cmpi eq, %arg1, %eq3A_44 : i32
    %convert_element_type3A_46 = arith.extui %eq3A_45 : i1 to i32
    %cond3A_47 = arith.constant 0 : i32
    %cond3A_48 = arith.cmpi ne, %convert_element_type3A_46, %cond3A_47 : i32
    scf.if %cond3A_48 {
      "tpu.region"() ({
        %run_scoped3A = tpu.sem_alloc : memref<!tpu.dma_semaphore, #tpu.memory_space<semaphore_mem>>
        %dma_start3A_49 = arith.constant 0 : i32
        %dma_start3A_50 = arith.constant 0 : i32
        %dma_start3A_51 = tpu.memref_slice %arg6[%arg0, %dma_start3A_49, %dma_start3A_50] : memref<2x10000x64xf32, #tpu.memory_space<hbm>> -> memref<1x10000x64xf32, #tpu.memory_space<hbm>>
        %dma_start3A_52 = tpu.memref_squeeze %dma_start3A_51 : memref<1x10000x64xf32, #tpu.memory_space<hbm>> -> memref<10000x64xf32, #tpu.memory_space<hbm>>
        %dma_start3A_53 = arith.constant 9480 : i32
        %dma_start3A_54 = arith.constant 0 : i32
        %dma_start3A_55 = tpu.memref_slice %dma_start3A_52[%dma_start3A_53, %dma_start3A_54] : memref<10000x64xf32, #tpu.memory_space<hbm>> -> memref<520x64xf32, #tpu.memory_space<hbm>>
        %dma_start3A_56 = arith.constant 9480 : i32
        %dma_start3A_57 = arith.constant 0 : i32
        %dma_start3A_58 = tpu.memref_slice %arg17[%dma_start3A_56, %dma_start3A_57] : memref<10008x64xf32, #tpu.memory_space<vmem_shared>> -> memref<520x64xf32, #tpu.memory_space<vmem_shared>>
        tpu.enqueue_dma source(%dma_start3A_58 : memref<520x64xf32, #tpu.memory_space<vmem_shared>>) target(%dma_start3A_55 : memref<520x64xf32, #tpu.memory_space<hbm>>) target_semaphore(%run_scoped3A : memref<!tpu.dma_semaphore, #tpu.memory_space<semaphore_mem>>)
        %dma_wait3A = arith.constant 0 : i32
        %dma_wait3A_59 = arith.constant 0 : i32
        %dma_wait3A_60 = tpu.memref_slice %arg6[%arg0, %dma_wait3A, %dma_wait3A_59] : memref<2x10000x64xf32, #tpu.memory_space<hbm>> -> memref<1x10000x64xf32, #tpu.memory_space<hbm>>
        %dma_wait3A_61 = tpu.memref_squeeze %dma_wait3A_60 : memref<1x10000x64xf32, #tpu.memory_space<hbm>> -> memref<10000x64xf32, #tpu.memory_space<hbm>>
        %dma_wait3A_62 = arith.constant 9480 : i32
        %dma_wait3A_63 = arith.constant 0 : i32
        %dma_wait3A_64 = tpu.memref_slice %dma_wait3A_61[%dma_wait3A_62, %dma_wait3A_63] : memref<10000x64xf32, #tpu.memory_space<hbm>> -> memref<520x64xf32, #tpu.memory_space<hbm>>
        %dma_wait3A_65 = arith.constant 9480 : i32
        %dma_wait3A_66 = arith.constant 0 : i32
        %dma_wait3A_67 = tpu.memref_slice %arg17[%dma_wait3A_65, %dma_wait3A_66] : memref<10008x64xf32, #tpu.memory_space<vmem_shared>> -> memref<520x64xf32, #tpu.memory_space<vmem_shared>>
        tpu.wait_dma2 semaphore(%run_scoped3A : memref<!tpu.dma_semaphore, #tpu.memory_space<semaphore_mem>>) src(%dma_wait3A_67 : memref<520x64xf32, #tpu.memory_space<vmem_shared>>) dst(%dma_wait3A_64 : memref<520x64xf32, #tpu.memory_space<hbm>>)
        tpu.yield
      }) : () -> ()
    } else {
    }
    return
  }
}

#map = affine_map<(d0, d1) -> (0, 0, 0)>
#map1 = affine_map<(d0, d1) -> (0, 0)>
module attributes {stable_mosaic.version = 14 : i64} {
  func.func @_deg_body(%arg0: i32, %arg1: i32, %arg2: memref<32x80x128xi32, #tpu.memory_space<hbm>>, %arg3: memref<10112x16xf32, #tpu.memory_space<hbm>>, %arg4: memref<2x10000x16xf32, #tpu.memory_space<hbm>>, %arg5: memref<80x128xi32, #tpu.memory_space<vmem>>, %arg6: memref<128x16xf32, #tpu.memory_space<vmem>>, %arg7: memref<10112x16xf32, #tpu.memory_space<vmem_shared>>) attributes {dimension_semantics = [#tpu.dimension_semantics<core_parallel>, #tpu.dimension_semantics<subcore_parallel>], iteration_bounds = array<i64: 2, 16>, scalar_prefetch = 0 : i64, scratch_operands = 3 : i64, tpu.core_type = #tpu.core_type<sc_vector_subcore>, window_params = [{transform_indices = #map}, {transform_indices = #map1}, {transform_indices = #map}]} {
    %mul3A = arith.constant 2 : i32
    %mul3A_0 = arith.muli %arg1, %mul3A : i32
    %add3A = arith.addi %mul3A_0, %arg0 : i32
    %mul3A_1 = arith.constant 632 : i32
    %mul3A_2 = arith.muli %arg1, %mul3A_1 : i32
    %mul3A_3 = arith.constant 632 : i32
    %mul3A_4 = arith.muli %arg1, %mul3A_3 : i32
    "tpu.region"() ({
      %run_scoped3A = tpu.sem_alloc : memref<!tpu.dma_semaphore, #tpu.memory_space<semaphore_mem>>
      %dma_start3A = arith.constant 0 : i32
      %dma_start3A_23 = tpu.memref_slice %arg7[%mul3A_4, %dma_start3A] : memref<10112x16xf32, #tpu.memory_space<vmem_shared>> -> memref<632x16xf32, #tpu.memory_space<vmem_shared>>
      %dma_start3A_24 = arith.constant 0 : i32
      %dma_start3A_25 = tpu.memref_slice %arg3[%mul3A_2, %dma_start3A_24] : memref<10112x16xf32, #tpu.memory_space<hbm>> -> memref<632x16xf32, #tpu.memory_space<hbm>>
      tpu.enqueue_dma source(%dma_start3A_25 : memref<632x16xf32, #tpu.memory_space<hbm>>) target(%dma_start3A_23 : memref<632x16xf32, #tpu.memory_space<vmem_shared>>) target_semaphore(%run_scoped3A : memref<!tpu.dma_semaphore, #tpu.memory_space<semaphore_mem>>)
      %dma_wait3A = arith.constant 0 : i32
      %dma_wait3A_26 = tpu.memref_slice %arg7[%mul3A_4, %dma_wait3A] : memref<10112x16xf32, #tpu.memory_space<vmem_shared>> -> memref<632x16xf32, #tpu.memory_space<vmem_shared>>
      %dma_wait3A_27 = arith.constant 0 : i32
      %dma_wait3A_28 = tpu.memref_slice %arg3[%mul3A_2, %dma_wait3A_27] : memref<10112x16xf32, #tpu.memory_space<hbm>> -> memref<632x16xf32, #tpu.memory_space<hbm>>
      tpu.wait_dma2 semaphore(%run_scoped3A : memref<!tpu.dma_semaphore, #tpu.memory_space<semaphore_mem>>) src(%dma_wait3A_28 : memref<632x16xf32, #tpu.memory_space<hbm>>) dst(%dma_wait3A_26 : memref<632x16xf32, #tpu.memory_space<vmem_shared>>)
      tpu.yield
    }) : () -> ()
    "tpu.region"() ({
      %run_scoped3A = tpu.sem_alloc : memref<!tpu.dma_semaphore, #tpu.memory_space<semaphore_mem>>
      %dma_start3A = arith.constant 0 : i32
      %dma_start3A_23 = arith.constant 0 : i32
      %dma_start3A_24 = tpu.memref_slice %arg2[%add3A, %dma_start3A, %dma_start3A_23] : memref<32x80x128xi32, #tpu.memory_space<hbm>> -> memref<1x80x128xi32, #tpu.memory_space<hbm>>
      %dma_start3A_25 = tpu.memref_squeeze %dma_start3A_24 : memref<1x80x128xi32, #tpu.memory_space<hbm>> -> memref<80x128xi32, #tpu.memory_space<hbm>>
      %dma_start3A_26 = arith.constant 0 : i32
      %dma_start3A_27 = arith.constant 0 : i32
      %dma_start3A_28 = tpu.memref_slice %arg2[%add3A, %dma_start3A_26, %dma_start3A_27] : memref<32x80x128xi32, #tpu.memory_space<hbm>> -> memref<1x80x128xi32, #tpu.memory_space<hbm>>
      %dma_start3A_29 = tpu.memref_squeeze %dma_start3A_28 : memref<1x80x128xi32, #tpu.memory_space<hbm>> -> memref<80x128xi32, #tpu.memory_space<hbm>>
      tpu.enqueue_dma source(%dma_start3A_29 : memref<80x128xi32, #tpu.memory_space<hbm>>) target(%arg5 : memref<80x128xi32, #tpu.memory_space<vmem>>) target_semaphore(%run_scoped3A : memref<!tpu.dma_semaphore, #tpu.memory_space<semaphore_mem>>)
      %dma_wait3A = arith.constant 0 : i32
      %dma_wait3A_30 = arith.constant 0 : i32
      %dma_wait3A_31 = tpu.memref_slice %arg2[%add3A, %dma_wait3A, %dma_wait3A_30] : memref<32x80x128xi32, #tpu.memory_space<hbm>> -> memref<1x80x128xi32, #tpu.memory_space<hbm>>
      %dma_wait3A_32 = tpu.memref_squeeze %dma_wait3A_31 : memref<1x80x128xi32, #tpu.memory_space<hbm>> -> memref<80x128xi32, #tpu.memory_space<hbm>>
      %dma_wait3A_33 = arith.constant 0 : i32
      %dma_wait3A_34 = arith.constant 0 : i32
      %dma_wait3A_35 = tpu.memref_slice %arg2[%add3A, %dma_wait3A_33, %dma_wait3A_34] : memref<32x80x128xi32, #tpu.memory_space<hbm>> -> memref<1x80x128xi32, #tpu.memory_space<hbm>>
      %dma_wait3A_36 = tpu.memref_squeeze %dma_wait3A_35 : memref<1x80x128xi32, #tpu.memory_space<hbm>> -> memref<80x128xi32, #tpu.memory_space<hbm>>
      tpu.wait_dma2 semaphore(%run_scoped3A : memref<!tpu.dma_semaphore, #tpu.memory_space<semaphore_mem>>) src(%dma_wait3A_36 : memref<80x128xi32, #tpu.memory_space<hbm>>) dst(%arg5 : memref<80x128xi32, #tpu.memory_space<vmem>>)
      tpu.yield
    }) : () -> ()
    %scan3A = arith.constant 0 : i32
    %scan3A_5 = arith.constant 0 : i32
    %scan3A_6 = arith.constant 128 : i32
    %scan3A_7 = arith.addi %scan3A_5, %scan3A_6 : i32
    %scan3A_8 = arith.constant 1 : i32
    scf.for %scan3A_23 = %scan3A_5 to %scan3A_7 step %scan3A_8  : i32 {
      %broadcast_in_dim3A = arith.constant 1.000000e+00 : f32
      %broadcast_in_dim3A_24 = vector.broadcast %broadcast_in_dim3A : f32 to vector<16xf32>
      %swap3A = arith.index_cast %scan3A_23 : i32 to index
      %swap3A_25 = arith.constant 0 : index
      %swap3A_26 = tpu.vector_load %arg6[%swap3A, %swap3A_25] {strides = array<i32>} : memref<128x16xf32, #tpu.memory_space<vmem>>, vector<1x16xf32>,
      %swap3A_27 = vector.shape_cast %swap3A_26 : vector<1x16xf32> to vector<16xf32>
      %swap3A_28 = vector.shape_cast %broadcast_in_dim3A_24 : vector<16xf32> to vector<1x16xf32>
      tpu.vector_store %arg6[%swap3A, %swap3A_25], %swap3A_28 {strides = array<i32>} : memref<128x16xf32, #tpu.memory_space<vmem>>, vector<1x16xf32>,
    }
    %scan3A_9 = arith.constant 128 : i32
    %barrier3A = arith.constant 0 : index
    tpu.barrier barrier_id(%barrier3A)
    %scan3A_10 = arith.constant 0 : i32
    %scan3A_11 = arith.constant 0 : i32
    %scan3A_12 = arith.constant 80 : i32
    %scan3A_13 = arith.addi %scan3A_11, %scan3A_12 : i32
    %scan3A_14 = arith.constant 1 : i32
    scf.for %scan3A_23 = %scan3A_11 to %scan3A_13 step %scan3A_14  : i32 {
      "tpu.region"() ({
        %run_scoped3A = tpu.sem_alloc : memref<!tpu.dma_semaphore, #tpu.memory_space<semaphore_mem>>
        %dma_start3A = arith.constant 0 : i32
        %dma_start3A_24 = tpu.memref_slice %arg5[%scan3A_23, %dma_start3A] : memref<80x128xi32, #tpu.memory_space<vmem>> -> memref<1x128xi32, #tpu.memory_space<vmem>>
        %dma_start3A_25 = tpu.memref_squeeze %dma_start3A_24 : memref<1x128xi32, #tpu.memory_space<vmem>> -> memref<128xi32, #tpu.memory_space<vmem>>
        %dma_start3A_26 = arith.constant 0 : i32
        %dma_start3A_27 = arith.constant 0 : i32
        %dma_start3A_28 = tpu.memref_slice %arg7[%dma_start3A_26, %dma_start3A_27] : memref<10112x16xf32, #tpu.memory_space<vmem_shared>> -> memref<10112x16xf32, #tpu.memory_space<vmem_shared>>
        tpu.enqueue_indirect_dma source(%arg6 : memref<128x16xf32, #tpu.memory_space<vmem>>) target(%dma_start3A_28 : memref<10112x16xf32, #tpu.memory_space<vmem_shared>>) offsets(%dma_start3A_25 : memref<128xi32, #tpu.memory_space<vmem>>) semaphore(%run_scoped3A : memref<!tpu.dma_semaphore, #tpu.memory_space<semaphore_mem>>) {add = true}
        %dma_wait3A = arith.constant 0 : i32
        %dma_wait3A_29 = tpu.memref_slice %arg5[%scan3A_23, %dma_wait3A] : memref<80x128xi32, #tpu.memory_space<vmem>> -> memref<1x128xi32, #tpu.memory_space<vmem>>
        %dma_wait3A_30 = tpu.memref_squeeze %dma_wait3A_29 : memref<1x128xi32, #tpu.memory_space<vmem>> -> memref<128xi32, #tpu.memory_space<vmem>>
        %dma_wait3A_31 = arith.constant 0 : i32
        %dma_wait3A_32 = arith.constant 0 : i32
        %dma_wait3A_33 = tpu.memref_slice %arg7[%dma_wait3A_31, %dma_wait3A_32] : memref<10112x16xf32, #tpu.memory_space<vmem_shared>> -> memref<10112x16xf32, #tpu.memory_space<vmem_shared>>
        tpu.wait_indirect_dma semaphore(%run_scoped3A : memref<!tpu.dma_semaphore, #tpu.memory_space<semaphore_mem>>) src(%arg6 : memref<128x16xf32, #tpu.memory_space<vmem>>) dst(%dma_wait3A_33 : memref<10112x16xf32, #tpu.memory_space<vmem_shared>>)
        tpu.yield
      }) : () -> ()
    }
    %scan3A_15 = arith.constant 80 : i32
    %barrier3A_16 = arith.constant 0 : index
    tpu.barrier barrier_id(%barrier3A_16)
    %lt3A = arith.constant 15 : i32
    %lt3A_17 = arith.cmpi slt, %arg1, %lt3A : i32
    %convert_element_type3A = arith.extui %lt3A_17 : i1 to i32
    %cond3A = arith.constant 0 : i32
    %cond3A_18 = arith.cmpi ne, %convert_element_type3A, %cond3A : i32
    scf.if %cond3A_18 {
      %mul3A_23 = arith.constant 632 : i32
      %mul3A_24 = arith.muli %arg1, %mul3A_23 : i32
      %mul3A_25 = arith.constant 632 : i32
      %mul3A_26 = arith.muli %arg1, %mul3A_25 : i32
      "tpu.region"() ({
        %run_scoped3A = tpu.sem_alloc : memref<!tpu.dma_semaphore, #tpu.memory_space<semaphore_mem>>
        %dma_start3A = arith.constant 0 : i32
        %dma_start3A_27 = arith.constant 0 : i32
        %dma_start3A_28 = tpu.memref_slice %arg4[%arg0, %dma_start3A, %dma_start3A_27] : memref<2x10000x16xf32, #tpu.memory_space<hbm>> -> memref<1x10000x16xf32, #tpu.memory_space<hbm>>
        %dma_start3A_29 = tpu.memref_squeeze %dma_start3A_28 : memref<1x10000x16xf32, #tpu.memory_space<hbm>> -> memref<10000x16xf32, #tpu.memory_space<hbm>>
        %dma_start3A_30 = arith.constant 0 : i32
        %dma_start3A_31 = tpu.memref_slice %dma_start3A_29[%mul3A_26, %dma_start3A_30] : memref<10000x16xf32, #tpu.memory_space<hbm>> -> memref<632x16xf32, #tpu.memory_space<hbm>>
        %dma_start3A_32 = arith.constant 0 : i32
        %dma_start3A_33 = tpu.memref_slice %arg7[%mul3A_24, %dma_start3A_32] : memref<10112x16xf32, #tpu.memory_space<vmem_shared>> -> memref<632x16xf32, #tpu.memory_space<vmem_shared>>
        tpu.enqueue_dma source(%dma_start3A_33 : memref<632x16xf32, #tpu.memory_space<vmem_shared>>) target(%dma_start3A_31 : memref<632x16xf32, #tpu.memory_space<hbm>>) target_semaphore(%run_scoped3A : memref<!tpu.dma_semaphore, #tpu.memory_space<semaphore_mem>>)
        %dma_wait3A = arith.constant 0 : i32
        %dma_wait3A_34 = arith.constant 0 : i32
        %dma_wait3A_35 = tpu.memref_slice %arg4[%arg0, %dma_wait3A, %dma_wait3A_34] : memref<2x10000x16xf32, #tpu.memory_space<hbm>> -> memref<1x10000x16xf32, #tpu.memory_space<hbm>>
        %dma_wait3A_36 = tpu.memref_squeeze %dma_wait3A_35 : memref<1x10000x16xf32, #tpu.memory_space<hbm>> -> memref<10000x16xf32, #tpu.memory_space<hbm>>
        %dma_wait3A_37 = arith.constant 0 : i32
        %dma_wait3A_38 = tpu.memref_slice %dma_wait3A_36[%mul3A_26, %dma_wait3A_37] : memref<10000x16xf32, #tpu.memory_space<hbm>> -> memref<632x16xf32, #tpu.memory_space<hbm>>
        %dma_wait3A_39 = arith.constant 0 : i32
        %dma_wait3A_40 = tpu.memref_slice %arg7[%mul3A_24, %dma_wait3A_39] : memref<10112x16xf32, #tpu.memory_space<vmem_shared>> -> memref<632x16xf32, #tpu.memory_space<vmem_shared>>
        tpu.wait_dma2 semaphore(%run_scoped3A : memref<!tpu.dma_semaphore, #tpu.memory_space<semaphore_mem>>) src(%dma_wait3A_40 : memref<632x16xf32, #tpu.memory_space<vmem_shared>>) dst(%dma_wait3A_38 : memref<632x16xf32, #tpu.memory_space<hbm>>)
        tpu.yield
      }) : () -> ()
    } else {
    }
    %eq3A = arith.constant 15 : i32
    %eq3A_19 = arith.cmpi eq, %arg1, %eq3A : i32
    %convert_element_type3A_20 = arith.extui %eq3A_19 : i1 to i32
    %cond3A_21 = arith.constant 0 : i32
    %cond3A_22 = arith.cmpi ne, %convert_element_type3A_20, %cond3A_21 : i32
    scf.if %cond3A_22 {
      "tpu.region"() ({
        %run_scoped3A = tpu.sem_alloc : memref<!tpu.dma_semaphore, #tpu.memory_space<semaphore_mem>>
        %dma_start3A = arith.constant 0 : i32
        %dma_start3A_23 = arith.constant 0 : i32
        %dma_start3A_24 = tpu.memref_slice %arg4[%arg0, %dma_start3A, %dma_start3A_23] : memref<2x10000x16xf32, #tpu.memory_space<hbm>> -> memref<1x10000x16xf32, #tpu.memory_space<hbm>>
        %dma_start3A_25 = tpu.memref_squeeze %dma_start3A_24 : memref<1x10000x16xf32, #tpu.memory_space<hbm>> -> memref<10000x16xf32, #tpu.memory_space<hbm>>
        %dma_start3A_26 = arith.constant 9480 : i32
        %dma_start3A_27 = arith.constant 0 : i32
        %dma_start3A_28 = tpu.memref_slice %dma_start3A_25[%dma_start3A_26, %dma_start3A_27] : memref<10000x16xf32, #tpu.memory_space<hbm>> -> memref<520x16xf32, #tpu.memory_space<hbm>>
        %dma_start3A_29 = arith.constant 9480 : i32
        %dma_start3A_30 = arith.constant 0 : i32
        %dma_start3A_31 = tpu.memref_slice %arg7[%dma_start3A_29, %dma_start3A_30] : memref<10112x16xf32, #tpu.memory_space<vmem_shared>> -> memref<520x16xf32, #tpu.memory_space<vmem_shared>>
        tpu.enqueue_dma source(%dma_start3A_31 : memref<520x16xf32, #tpu.memory_space<vmem_shared>>) target(%dma_start3A_28 : memref<520x16xf32, #tpu.memory_space<hbm>>) target_semaphore(%run_scoped3A : memref<!tpu.dma_semaphore, #tpu.memory_space<semaphore_mem>>)
        %dma_wait3A = arith.constant 0 : i32
        %dma_wait3A_32 = arith.constant 0 : i32
        %dma_wait3A_33 = tpu.memref_slice %arg4[%arg0, %dma_wait3A, %dma_wait3A_32] : memref<2x10000x16xf32, #tpu.memory_space<hbm>> -> memref<1x10000x16xf32, #tpu.memory_space<hbm>>
        %dma_wait3A_34 = tpu.memref_squeeze %dma_wait3A_33 : memref<1x10000x16xf32, #tpu.memory_space<hbm>> -> memref<10000x16xf32, #tpu.memory_space<hbm>>
        %dma_wait3A_35 = arith.constant 9480 : i32
        %dma_wait3A_36 = arith.constant 0 : i32
        %dma_wait3A_37 = tpu.memref_slice %dma_wait3A_34[%dma_wait3A_35, %dma_wait3A_36] : memref<10000x16xf32, #tpu.memory_space<hbm>> -> memref<520x16xf32, #tpu.memory_space<hbm>>
        %dma_wait3A_38 = arith.constant 9480 : i32
        %dma_wait3A_39 = arith.constant 0 : i32
        %dma_wait3A_40 = tpu.memref_slice %arg7[%dma_wait3A_38, %dma_wait3A_39] : memref<10112x16xf32, #tpu.memory_space<vmem_shared>> -> memref<520x16xf32, #tpu.memory_space<vmem_shared>>
        tpu.wait_dma2 semaphore(%run_scoped3A : memref<!tpu.dma_semaphore, #tpu.memory_space<semaphore_mem>>) src(%dma_wait3A_40 : memref<520x16xf32, #tpu.memory_space<vmem_shared>>) dst(%dma_wait3A_37 : memref<520x16xf32, #tpu.memory_space<hbm>>)
        tpu.yield
      }) : () -> ()
    } else {
    }
    return
  }
}

module attributes {stable_mosaic.version = 14 : i64} {
  func.func @_scale_body(%arg0: i32, %arg1: memref<1000x128xf32, #tpu.memory_space<vmem>>, %arg2: memref<2x1000x16xf32, #tpu.memory_space<vmem>>, %arg3: memref<2x1000x64xf32, #tpu.memory_space<vmem>>) attributes {dimension_semantics = [#tpu.dimension_semantics<arbitrary>], iteration_bounds = array<i64: 10>, scalar_prefetch = 0 : i64, scratch_operands = 0 : i64, tpu.core_type = #tpu.core_type<tc>, window_params = [{transform_indices = @transform_0, window_bounds = array<i64: 1000, 128>}, {transform_indices = @transform_1, window_bounds = array<i64: 2, 1000, 16>}, {transform_indices = @transform_2, window_bounds = array<i64: 2, 1000, 64>}]} {
    %get3A = arith.constant 0 : index
    %get3A_0 = arith.constant 0 : index
    %get3A_1 = arith.constant 0 : index
    %get3A_2 = vector.load %arg2[%get3A, %get3A_0, %get3A_1] : memref<2x1000x16xf32, #tpu.memory_space<vmem>>, vector<1x1000x1xf32>
    %get3A_3 = vector.shape_cast %get3A_2 : vector<1x1000x1xf32> to vector<1000x1xf32>
    %add3A = arith.constant 1.000000e+00 : f32
    %add3A_4 = vector.broadcast %add3A : f32 to vector<1000x1xf32>
    %add3A_5 = arith.addf %add3A_4, %get3A_3 : vector<1000x1xf32>
    %get3A_6 = arith.constant 1 : index
    %get3A_7 = arith.constant 0 : index
    %get3A_8 = arith.constant 0 : index
    %get3A_9 = vector.load %arg2[%get3A_6, %get3A_7, %get3A_8] : memref<2x1000x16xf32, #tpu.memory_space<vmem>>, vector<1x1000x1xf32>
    %get3A_10 = vector.shape_cast %get3A_9 : vector<1x1000x1xf32> to vector<1000x1xf32>
    %add3A_11 = arith.addf %add3A_5, %get3A_10 : vector<1000x1xf32>
    %sqrt3A = math.sqrt %add3A_11 : vector<1000x1xf32>
    %div3A = arith.constant 1.000000e+00 : f32
    %div3A_12 = vector.broadcast %div3A : f32 to vector<1000x1xf32>
    %div3A_13 = arith.divf %div3A_12, %sqrt3A : vector<1000x1xf32>
    %get3A_14 = arith.constant 0 : index
    %get3A_15 = arith.constant 0 : index
    %get3A_16 = vector.load %arg1[%get3A_14, %get3A_15] : memref<1000x128xf32, #tpu.memory_space<vmem>>, vector<1000x64xf32>
    %mul3A = vector.broadcast %div3A_13 : vector<1000x1xf32> to vector<1000x64xf32>
    %mul3A_17 = arith.mulf %get3A_16, %mul3A : vector<1000x64xf32>
    %swap3A = arith.constant 0 : index
    %swap3A_18 = arith.constant 0 : index
    %swap3A_19 = arith.constant 0 : index
    %swap3A_20 = vector.load %arg3[%swap3A, %swap3A_18, %swap3A_19] : memref<2x1000x64xf32, #tpu.memory_space<vmem>>, vector<1x1000x64xf32>
    %swap3A_21 = vector.shape_cast %swap3A_20 : vector<1x1000x64xf32> to vector<1000x64xf32>
    %swap3A_22 = vector.shape_cast %mul3A_17 : vector<1000x64xf32> to vector<1x1000x64xf32>
    tpu.vector_store %arg3[%swap3A, %swap3A_18, %swap3A_19], %swap3A_22 {strides = array<i32>} : memref<2x1000x64xf32, #tpu.memory_space<vmem>>, vector<1x1000x64xf32>,
    %get3A_23 = arith.constant 0 : index
    %get3A_24 = arith.constant 64 : index
    %get3A_25 = vector.load %arg1[%get3A_23, %get3A_24] : memref<1000x128xf32, #tpu.memory_space<vmem>>, vector<1000x64xf32>
    %mul3A_26 = vector.broadcast %div3A_13 : vector<1000x1xf32> to vector<1000x64xf32>
    %mul3A_27 = arith.mulf %get3A_25, %mul3A_26 : vector<1000x64xf32>
    %swap3A_28 = arith.constant 1 : index
    %swap3A_29 = arith.constant 0 : index
    %swap3A_30 = arith.constant 0 : index
    %swap3A_31 = vector.load %arg3[%swap3A_28, %swap3A_29, %swap3A_30] : memref<2x1000x64xf32, #tpu.memory_space<vmem>>, vector<1x1000x64xf32>
    %swap3A_32 = vector.shape_cast %swap3A_31 : vector<1x1000x64xf32> to vector<1000x64xf32>
    %swap3A_33 = vector.shape_cast %mul3A_27 : vector<1000x64xf32> to vector<1x1000x64xf32>
    tpu.vector_store %arg3[%swap3A_28, %swap3A_29, %swap3A_30], %swap3A_33 {strides = array<i32>} : memref<2x1000x64xf32, #tpu.memory_space<vmem>>, vector<1x1000x64xf32>,
    return
  }
  func.func @transform_0(%arg0: i32) -> (i32, i32) {
    %c0_i32 = arith.constant 0 : i32
    %c0_i32_0 = arith.constant 0 : i32
    return %arg0, %c0_i32 : i32, i32
  }
  func.func @transform_1(%arg0: i32) -> (i32, i32, i32) {
    %c0_i32 = arith.constant 0 : i32
    %c0_i32_0 = arith.constant 0 : i32
    %c0_i32_1 = arith.constant 0 : i32
    return %c0_i32, %arg0, %c0_i32_0 : i32, i32, i32
  }
  func.func @transform_2(%arg0: i32) -> (i32, i32, i32) {
    %c0_i32 = arith.constant 0 : i32
    %c0_i32_0 = arith.constant 0 : i32
    %c0_i32_1 = arith.constant 0 : i32
    return %c0_i32, %arg0, %c0_i32_0 : i32, i32, i32
  }
}

module attributes {stable_mosaic.version = 14 : i64} {
  func.func @_final_body(%arg0: i32, %arg1: memref<2x1000x64xf32, #tpu.memory_space<vmem>>, %arg2: memref<2x1000x64xf32, #tpu.memory_space<vmem>>, %arg3: memref<2x1000x16xf32, #tpu.memory_space<vmem>>, %arg4: memref<128x128xf32, #tpu.memory_space<vmem>>, %arg5: memref<1x128xf32, #tpu.memory_space<vmem>>, %arg6: memref<1000x128xf32, #tpu.memory_space<vmem>>) attributes {dimension_semantics = [#tpu.dimension_semantics<arbitrary>], iteration_bounds = array<i64: 10>, scalar_prefetch = 0 : i64, scratch_operands = 0 : i64, tpu.core_type = #tpu.core_type<tc>, window_params = [{transform_indices = @transform_0, window_bounds = array<i64: 2, 1000, 64>}, {transform_indices = @transform_1, window_bounds = array<i64: 2, 1000, 64>}, {transform_indices = @transform_2, window_bounds = array<i64: 2, 1000, 16>}, {pipeline_mode = #tpu.pipeline_mode<synchronous>, transform_indices = @transform_3, window_bounds = array<i64: 128, 128>}, {pipeline_mode = #tpu.pipeline_mode<synchronous>, transform_indices = @transform_4, window_bounds = array<i64: 1, 128>}, {transform_indices = @transform_5, window_bounds = array<i64: 1000, 128>}]} {
    %get3A = arith.constant 0 : index
    %get3A_0 = arith.constant 0 : index
    %get3A_1 = arith.constant 0 : index
    %get3A_2 = vector.load %arg3[%get3A, %get3A_0, %get3A_1] : memref<2x1000x16xf32, #tpu.memory_space<vmem>>, vector<1x1000x1xf32>
    %get3A_3 = vector.shape_cast %get3A_2 : vector<1x1000x1xf32> to vector<1000x1xf32>
    %add3A = arith.constant 1.000000e+00 : f32
    %add3A_4 = vector.broadcast %add3A : f32 to vector<1000x1xf32>
    %add3A_5 = arith.addf %add3A_4, %get3A_3 : vector<1000x1xf32>
    %get3A_6 = arith.constant 1 : index
    %get3A_7 = arith.constant 0 : index
    %get3A_8 = arith.constant 0 : index
    %get3A_9 = vector.load %arg3[%get3A_6, %get3A_7, %get3A_8] : memref<2x1000x16xf32, #tpu.memory_space<vmem>>, vector<1x1000x1xf32>
    %get3A_10 = vector.shape_cast %get3A_9 : vector<1x1000x1xf32> to vector<1000x1xf32>
    %add3A_11 = arith.addf %add3A_5, %get3A_10 : vector<1000x1xf32>
    %get3A_12 = arith.constant 0 : index
    %get3A_13 = arith.constant 0 : index
    %get3A_14 = arith.constant 0 : index
    %get3A_15 = vector.load %arg1[%get3A_12, %get3A_13, %get3A_14] : memref<2x1000x64xf32, #tpu.memory_space<vmem>>, vector<1x1000x64xf32>
    %get3A_16 = vector.shape_cast %get3A_15 : vector<1x1000x64xf32> to vector<1000x64xf32>
    %get3A_17 = arith.constant 0 : index
    %get3A_18 = arith.constant 0 : index
    %get3A_19 = arith.constant 0 : index
    %get3A_20 = vector.load %arg2[%get3A_17, %get3A_18, %get3A_19] : memref<2x1000x64xf32, #tpu.memory_space<vmem>>, vector<1x1000x64xf32>
    %get3A_21 = vector.shape_cast %get3A_20 : vector<1x1000x64xf32> to vector<1000x64xf32>
    %add3A_22 = arith.addf %get3A_16, %get3A_21 : vector<1000x64xf32>
    %get3A_23 = arith.constant 1 : index
    %get3A_24 = arith.constant 0 : index
    %get3A_25 = arith.constant 0 : index
    %get3A_26 = vector.load %arg1[%get3A_23, %get3A_24, %get3A_25] : memref<2x1000x64xf32, #tpu.memory_space<vmem>>, vector<1x1000x64xf32>
    %get3A_27 = vector.shape_cast %get3A_26 : vector<1x1000x64xf32> to vector<1000x64xf32>
    %get3A_28 = arith.constant 1 : index
    %get3A_29 = arith.constant 0 : index
    %get3A_30 = arith.constant 0 : index
    %get3A_31 = vector.load %arg2[%get3A_28, %get3A_29, %get3A_30] : memref<2x1000x64xf32, #tpu.memory_space<vmem>>, vector<1x1000x64xf32>
    %get3A_32 = vector.shape_cast %get3A_31 : vector<1x1000x64xf32> to vector<1000x64xf32>
    %add3A_33 = arith.addf %get3A_27, %get3A_32 : vector<1000x64xf32>
    %concatenate3A = tpu.concatenate %add3A_22, %add3A_33 in 1 : vector<1000x64xf32>, vector<1000x64xf32> -> vector<1000x128xf32>
    %sqrt3A = math.sqrt %add3A_11 : vector<1000x1xf32>
    %div3A = arith.constant 1.000000e+00 : f32
    %div3A_34 = vector.broadcast %div3A : f32 to vector<1000x1xf32>
    %div3A_35 = arith.divf %div3A_34, %sqrt3A : vector<1000x1xf32>
    %mul3A = vector.broadcast %div3A_35 : vector<1000x1xf32> to vector<1000x128xf32>
    %mul3A_36 = arith.mulf %concatenate3A, %mul3A : vector<1000x128xf32>
    %get3A_37 = arith.constant 0 : index
    %get3A_38 = arith.constant 0 : index
    %get3A_39 = vector.load %arg4[%get3A_37, %get3A_38] : memref<128x128xf32, #tpu.memory_space<vmem>>, vector<128x128xf32>
    %dot_general3A = arith.constant dense<0.000000e+00> : vector<1000x128xf32>
    %dot_general3A_40 = tpu.matmul %mul3A_36, %get3A_39, %dot_general3A {dimension_numbers = #tpu.dot_dimension_numbers<[1], [0], [0], [1], [0, 0, 1, 1], [], []>, precision = #tpu.contract_precision<fp32>, transpose_lhs_hint = false} : vector<1000x128xf32>, vector<128x128xf32>, vector<1000x128xf32> -> vector<1000x128xf32>
    %get3A_41 = arith.constant 0 : index
    %get3A_42 = arith.constant 0 : index
    %get3A_43 = vector.load %arg5[%get3A_41, %get3A_42] : memref<1x128xf32, #tpu.memory_space<vmem>>, vector<1x128xf32>
    %add3A_44 = vector.broadcast %get3A_43 : vector<1x128xf32> to vector<1000x128xf32>
    %add3A_45 = arith.addf %dot_general3A_40, %add3A_44 : vector<1000x128xf32>
    %swap3A = arith.constant 0 : index
    %swap3A_46 = arith.constant 0 : index
    %swap3A_47 = vector.load %arg6[%swap3A, %swap3A_46] : memref<1000x128xf32, #tpu.memory_space<vmem>>, vector<1000x128xf32>
    tpu.vector_store %arg6[%swap3A, %swap3A_46], %add3A_45 {strides = array<i32>} : memref<1000x128xf32, #tpu.memory_space<vmem>>, vector<1000x128xf32>,
    return
  }
  func.func @transform_0(%arg0: i32) -> (i32, i32, i32) {
    %c0_i32 = arith.constant 0 : i32
    %c0_i32_0 = arith.constant 0 : i32
    %c0_i32_1 = arith.constant 0 : i32
    return %c0_i32, %arg0, %c0_i32_0 : i32, i32, i32
  }
  func.func @transform_1(%arg0: i32) -> (i32, i32, i32) {
    %c0_i32 = arith.constant 0 : i32
    %c0_i32_0 = arith.constant 0 : i32
    %c0_i32_1 = arith.constant 0 : i32
    return %c0_i32, %arg0, %c0_i32_0 : i32, i32, i32
  }
  func.func @transform_2(%arg0: i32) -> (i32, i32, i32) {
    %c0_i32 = arith.constant 0 : i32
    %c0_i32_0 = arith.constant 0 : i32
    %c0_i32_1 = arith.constant 0 : i32
    return %c0_i32, %arg0, %c0_i32_0 : i32, i32, i32
  }
  func.func @transform_3(%arg0: i32) -> (i32, i32) {
    %c0_i32 = arith.constant 0 : i32
    %c0_i32_0 = arith.constant 0 : i32
    %c0_i32_1 = arith.constant 0 : i32
    return %c0_i32, %c0_i32_0 : i32, i32
  }
  func.func @transform_4(%arg0: i32) -> (i32, i32) {
    %c0_i32 = arith.constant 0 : i32
    %c0_i32_0 = arith.constant 0 : i32
    %c0_i32_1 = arith.constant 0 : i32
    return %c0_i32, %c0_i32_0 : i32, i32
  }
  func.func @transform_5(%arg0: i32) -> (i32, i32) {
    %c0_i32 = arith.constant 0 : i32
    %c0_i32_0 = arith.constant 0 : i32
    return %arg0, %c0_i32 : i32, i32
  }
}

</mosaic_0001>

<sc_bundles>
// kernel: kernel.6.cloned.1.call-start
scs
__scs_entry_jumppad:
0x0: {  	(pc) =	sbr.rel $0x88, $3  }
0x1: {  	(tag) =	ssettag $0x0;
	lr =	simm.s32 $0x1  }
0x2: {  	[smem:$0x3F9D] =	sst lr;
	_ =	strace $0xD0000000  }
0x3: {  	_ = 	snop  }
0x4: {  	_ = 	snop  }
0x5: {  	_ = 	snop  }
0x6: {  	_ = 	snop  }
0x7: {  	_ = 	snop  }
__scs_overlays_trampoline_lowered:
0x8: {  	[smem:$0x3FAC] =	sst s0  }
0x9: {  	[smem:$0x3FAD] =	sst s1  }
0xa: {  	[smem:$0x3FAE] =	sst s2  }
0xb: {  	[smem:$0x3FAF] =	sst s3  }
0xc: {  	[smem:$0x3FB0] =	sst s4  }
0xd: {  	[smem:$0x3FB1] =	sst s5  }
0xe: {  	[smem:$0x3FB2] =	sst s6  }
0xf: {  	[smem:$0x3FB3] =	sst s7  }
0x10: {  	[smem:$0x3FB4] =	sst s8  }
0x11: {  	[smem:$0x3FB5] =	sst s9;
	s0 =	simm.s32 @!p0 $0x0  }
0x12: {  	s1 =	sld [smem:$0x3F9B];
	s0 =	simm.s32 @p0 $0x1  }
0x13: {  	[smem:$0x3FB6] =	sst s0;
	s0 =	simm.s32 @!p1 $0x0  }
0x14: {  	s2 =	sld [smem:$0x3F9A];
	s0 =	simm.s32 @p1 $0x1  }
0x15: {  	[smem:$0x3FB7] =	sst s0;
	s0 =	simm.s32 @!p2 $0x0  }
0x16: {  	s3 =	sld [smem:$0x3FDB];
	s0 =	simm.s32 @p2 $0x1  }
0x17: {  	s4 =	simm.s32 $0x1BF5;
	[smem:$0x3FB9] =	sst s0  }
0x18: {  	s0 =	sld [smem:$0x3F9C];
	_ =	swait.ge [sflag:s4], $0x0  }
0x19: {  	s7 =	sld [smem:$0x3F9D]  }
0x1a: {  	s8 =	sadd.s32 $0xFFFFE003, lr  }
0x1b: {  	s9 =	sadd.s32 $0xFFFFFEF7, lr;
	s5 =	simm.s32 $0xFFFFFFFF;
	p2 =	slt.u32 s8, $0xFFFFF086  }
0x1c: {  	p1 =	slt.u32 s9, $0xF7A;
	s5 =	simm.s32 @!p2 $0x0  }
0x1d: {  	s5 =	simm.s32 @p1 $0x1;
	p0 =	seq.s32 s7, s2  }
0x1e: {  	s7 =	smul.u32 @!p0 $0xF7A, s2;
	p2 =	seq.s32 @!p0 s5, $0x0  }
0x1f: {  	s9 =	smul.u32 $0xF7A, s1;
	s8 =	simm.s32 @!p0 $0x1BF5;
	p2 =	por !p2, p0  }
0x20: {  	[sflag:s8] =	ssyncset.s32 @!p0 $0xFFFFF086;
	s6 =	sadd.s32 @!p0 s3, s7;
	s7 =	simm.s32 @!p0 $0x108  }
0x21: {  	s3 =	sadd.s32 s3, s9;
	s6 =	sadd.s32 @!p0 $0x88, s6;
	s7 =	simm.s32 @p2 $0x1082  }
0x22: {  	[simem:s7], [sflag:s8] =	dma.local @!p0 [hbm:s6], $0xF7A  }
0x23: {  	s9 =	sor.u32 $0xD0000000, s2;
	s6 =	simm.s32 $0x108;
	_ =	swait.ge @!p0 [sflag:s8], $0x0  }
0x24: {  	s3 =	sadd.s32 $0x88, s3;
	s6 =	simm.s32 @!p1 $0x1082;
	[sflag:s4] =	ssyncset.s32 $0xFFFFF086  }
0x25: {  	[simem:s6], [sflag:s4] =	dma.local [hbm:s3], $0xF7A  }
0x26: {  	[smem:$0x3F9D] =	sst s1;
	(tag) =	ssettag s2;
	_ =	strace s9  }
0x27: {  	s1 =	sld [smem:$0x3FAD]  }
0x28: {  	s2 =	sld [smem:$0x3FAE]  }
0x29: {  	s4 =	sld [smem:$0x3FB0]  }
0x2a: {  	p0 =	seq.s32 s5, $0x0;
	s5 =	sld [smem:$0x3FB1]  }
0x2b: {  	s6 =	sld [smem:$0x3FB2]  }
0x2c: {  	s7 =	sld [smem:$0x3FB3]  }
0x2d: {  	s3 =	simm.s32 $0x108;
	s8 =	sld [smem:$0x3FB4]  }
0x2e: {  	s3 =	simm.s32 @!p0 $0x1082;
	s9 =	sld [smem:$0x3FB5]  }
0x2f: {  	lr =	sadd.s32 s0, s3;
	s0 =	sld [smem:$0x3FAC]  }
0x30: {  	s3 =	sld [smem:$0x3FAF]  }
0x31: {  	[smem:$0x3FB8] =	sst s10  }
0x32: {  	s10 =	sld [smem:$0x3FB6];
	_ =	sdelay $0x3  }
0x33: {  	p0 =	seq.s32 s10, $0x1;
	s10 =	sld [smem:$0x3FB8];
	_ =	sdelay $0x3  }
0x34: {  	[smem:$0x3FB8] =	sst s10  }
0x35: {  	s10 =	sld [smem:$0x3FB7];
	_ =	sdelay $0x3  }
0x36: {  	p1 =	seq.s32 s10, $0x1;
	s10 =	sld [smem:$0x3FB8];
	_ =	sdelay $0x3  }
0x37: {  	[smem:$0x3FB8] =	sst s10  }
0x38: {  	s10 =	sld [smem:$0x3FB9]  }
0x39: {  	_ = 	snop;
	(pc) =	sbr.ind lr, $3  }
0x3a: {  	_ = 	snop  }
0x3b: {  	_ = 	snop  }
0x3c: {  	p2 =	seq.s32 s10, $0x1;
	s10 =	sld [smem:$0x3FB8]  }
0x3d: {  	_ =	shalt  }
0x3e: {  	_ =	shalt  }
0x3f: {  	_ =	shalt  }
0x40: {  	_ =	shalt  }
0x41: {  	_ =	shalt  }
0x42: {  	_ =	shalt  }
0x43: {  	_ =	shalt  }
0x44: {  	_ =	shalt  }
0x45: {  	_ =	shalt  }
0x46: {  	_ =	shalt  }
0x47: {  	_ =	shalt  }
0x48: {  	_ =	shalt  }
0x49: {  	_ =	shalt  }
0x4a: {  	_ =	shalt  }
0x4b: {  	_ =	shalt  }
0x4c: {  	_ =	shalt  }
0x4d: {  	_ =	shalt  }
0x4e: {  	_ =	shalt  }
0x4f: {  	_ =	shalt  }
0x50: {  	_ =	shalt  }
0x51: {  	_ =	shalt  }
0x52: {  	_ =	shalt  }
0x53: {  	_ =	shalt  }
0x54: {  	_ =	shalt  }
0x55: {  	_ =	shalt  }
0x56: {  	_ =	shalt  }
0x57: {  	_ =	shalt  }
0x58: {  	_ =	shalt  }
0x59: {  	_ =	shalt  }
0x5a: {  	_ =	shalt  }
0x5b: {  	_ =	shalt  }
0x5c: {  	_ =	shalt  }
0x5d: {  	_ =	shalt  }
0x5e: {  	_ =	shalt  }
0x5f: {  	_ =	shalt  }
0x60: {  	_ =	shalt  }
0x61: {  	_ =	shalt  }
0x62: {  	_ =	shalt  }
0x63: {  	_ =	shalt  }
0x64: {  	_ =	shalt  }
0x65: {  	_ =	shalt  }
0x66: {  	_ =	shalt  }
0x67: {  	_ =	shalt  }
0x68: {  	_ =	shalt  }
0x69: {  	_ =	shalt  }
0x6a: {  	_ =	shalt  }
0x6b: {  	_ =	shalt  }
0x6c: {  	_ =	shalt  }
0x6d: {  	_ =	shalt  }
0x6e: {  	_ =	shalt  }
0x6f: {  	_ =	shalt  }
0x70: {  	_ =	shalt  }
0x71: {  	_ =	shalt  }
0x72: {  	_ =	shalt  }
0x73: {  	_ =	shalt  }
0x74: {  	_ =	shalt  }
0x75: {  	_ =	shalt  }
0x76: {  	_ =	shalt  }
0x77: {  	_ =	shalt  }
0x78: {  	_ =	shalt  }
0x79: {  	_ =	shalt  }
0x7a: {  	_ =	shalt  }
0x7b: {  	_ =	shalt  }
0x7c: {  	_ =	shalt  }
0x7d: {  	_ =	shalt  }
0x7e: {  	_ =	shalt  }
0x7f: {  	_ =	shalt  }
0x80: {  	_ =	shalt  }
0x81: {  	_ =	shalt  }
0x82: {  	_ =	shalt  }
0x83: {  	_ =	shalt  }
0x84: {  	_ =	shalt  }
0x85: {  	_ =	shalt  }
0x86: {  	_ =	shalt  }
0x87: {  	_ =	shalt  }
.Lfunc_end0:
.L_simem_size_0:
called_computation_lowered:
.L_overlay_start_0:
0x88: {  	s2 =	sld [smem:$0x3FD9]  }
0x89: {  	s3 =	sld [smem:$0x3FFE];
	_ =	sdelay $0x1  }
0x8a: {  	s1 =	srdreg.scid  }
0x8b: {  	s0 =	sand.u32 $0x1, s1  }
0x8c: {  	s17 =	sshll.u32 s0, $0xA;
	s2 =	sadd.s32 s3, s2  }
0x8d: {  	s2 =	sadd.s32 s2, s17  }
0x8e: {  	[smem:$0x3FC4] =	sst s2  }
0x8f: {  	_ = 	snop  }
0x90: {  	s2 =	sld [smem:$0x3FD0];
	(tm) =	ssettm $0x1  }
0x91: {  	s18 =	sld [smem:$0x3FFB];
	_ =	sdelay $0x3  }
0x92: {  	_ =	strace s18  }
0x93: {  	s3 =	sld [smem:$0x3FFC];
	_ =	sdelay $0x3  }
0x94: {  	_ =	strace s3  }
0x95: {  	s3 =	sld [smem:$0x3FFD];
	_ =	sdelay $0x3  }
0x96: {  	_ =	strace s3  }
0x97: {  	_ =	strace $0x8FFFFFFF  }
0x98: {  	s19 =	sld [smem:$0x3FDB];
	_ =	sdelay $0x1  }
0x99: {  	s4 =	simm.s32 $_scs_section_size  }
0x9a: {  	s5 =	simm.s32 $_size__tile_overlayer_lowered;
	s6 =	simm.s32 $_tile_overlayer_lowered  }
0x9b: {  	s22 =	simm.s32 $0x1BFF;
	s21 =	sshll.u32 s6, $0x1;
	s3 =	sadd.s32 s4, s19  }
0x9c: {  	s7 =	simm.s32 $0x0;
	s20 =	sshll.u32 s5, $0x1;
	s5 =	sadd.s32 s21, s3  }
0x9d: {  	[timem:s7], [sflag:s22] =	dma.local [hbm:s5], s20  }
0x9e: {  	_ =	swait.ge [sflag:s22], s20  }
0x9f: {  	s4 =	ssub.s32 $0x0, s20;
	[sflag:s22] =	ssyncset.done $0x0  }
0xa0: {  	[sflag:s22] =	ssyncadd.s32 s4;
	_ =	sdelay $0x1  }
0xa1: {  	s23 =	simm.s32 $0x1B8B  }
0xa2: {  	_ =	swait.ge [sflag:s23], $0x1  }
0xa3: {  	[sflag:s23] =	ssyncset.done $0x0  }
0xa4: {  	s25 =	simm.s32 $0x1B8E;
	s24 =	sld [smem:$0x3FFE];
	[sflag:s23] =	ssyncadd.s32 $0xFFFFFFFF  }
0xa5: {  	s26 =	simm.s32 $execute0_lowered;
	[smem:$0x3FD2] =	sst s25  }
0xa6: {  	s5 =	sshll.u32 s26, $0x1;
	_ =	strace $0x80000046;
	[dreg:$0x1] =	wrdreg $0xFFFFFFFF  }
0xa7: {  	s28 =	simm.s32 $_size_execute0_lowered;
	s3 =	sadd.s32 s3, s5;
	[dreg:$0x0] =	wrdreg $0x0  }
0xa8: {  	s5 =	sshll.u32 s28, $0x1;
	[dreg:$0x2] =	wrdreg s3  }
0xa9: {  	[dreg:$0x3] =	wrdreg s5  }
0xaa: {  	[dreg:$0x4] =	wrdreg $0xC0  }
0xab: {  	_ =	task [dreg:s7], $0x5FFFF  }
0xac: {  	[dreg:$0x1] =	wrdreg $0xFFFFFFFF  }
0xad: {  	[dreg:$0x0] =	wrdreg $0x60  }
0xae: {  	[dreg:$0x2] =	wrdreg s2  }
0xaf: {  	[dreg:$0x3] =	wrdreg s24  }
0xb0: {  	[dreg:$0x4] =	wrdreg $0x68000  }
0xb1: {  	[dreg:$0x5] =	wrdreg $0x9  }
0xb2: {  	_ =	task.clear_ibuf [dreg:s7], $0x6FFFF;
	_ =	strace $0x90000046  }
0xb3: {  	s29 =	simm.s32 $0x9;
	_ =	strace $0x80000048  }
0xb4: {  	_ =	swait.ge [sflag:s29], $0x1  }
0xb5: {  	[sflag:s29] =	ssyncadd.s32 $0xFFFFFFFF  }
0xb6: {  	_ =	strace $0x90000048  }
0xb7: {  	_ =	sfence  }
0xb8: {  	s30 =	sld [smem:$0x0];
	_ =	sdelay $0x2  }
0xb9: {  	s31 =	sshll.u32 s1, $0xD;
	s1 =	sshrl.u32 s1, $0x2  }
0xba: {  	s3 =	sand.u32 $0x4000, s31;
	s1 =	sadd.s32 s1, s30  }
0xbb: {  	s0 =	sor.u32 s3, s0;
	s1 =	sshll.u32 s1, $0x11  }
0xbc: {  	s0 =	sor.u32 s1, s0  }
0xbd: {  	s0 =	sadd.s32 $0x8F2B, s0  }
0xbe: {  	[sflag:s0] =	ssyncadd.remote.s32 $0x1  }
0xbf: {  	_ =	sfence.sel $0xFFFF  }
0xc0: {  	[dreg:$0x0] =	wrdreg $0xFFFFFFFF;
	(pc) =	sbr.abs _section_cstart, $3  }
0xc1: {  	[dreg:$0x1] =	wrdreg $0xFFFFFFFF  }
0xc2: {  	_ =	task.clear_ibuf [dreg:s7], $0x2FFFF;
	_ =	strace $0x9FFFFFFF  }
0xc3: {  	(tm) =	ssettm $0x7FFFFFFF  }
tec
execute0_lowered:
.L_overlay_start_1:
0x0: {  	(tag) =	ssettag $0x1  }
0x1: {  	s6 =	rddreg [dreg:$0x0]  }
0x2: {  	s4 =	rddreg [dreg:$0x1]  }
0x3: {  	s2 =	rddreg [dreg:$0x2]  }
0x4: {  	s0 =	rddreg [dreg:$0x3]  }
0x5: {  	s1 =	stileid.u32;
	s3 =	simm.s32 $0x0;
	s5 =	srdreg.scid  }
0x6: {  	s14 =	smul.u32 $0x2780, s1;
	[smem:$0x7FF] =	sst s3;
	s5 =	sand.u32 $0x1, s5  }
0x7: {  	s10 =	smul.u32 $0x4F000, s1;
	s11 =	sshll.u32 s1, $0x1;
	s13 =	sadd.s32 $0x128400, s2  }
0x8: {  	s31 =	sshll.u32 s1, $0x6;
	p0 =	seq.s32 s1, $0xF;
	_ =	strace $0x80000047  }
0x9: {  	s8 =	smul.u32 $0x27100, s5;
	s9 =	ssub.s32 $0x2, s5;
	s5 =	sor.u32 s5, s11  }
0xa: {  	s11 =	simm.s32 $0x2800;
	s13 =	sshrl.u32 @p0 s13, $0x3;
	s7 =	sadd.s32 s14, s4  }
0xb: {  	s28 =	sshrl.u32 s9, $0x1;
	s29 =	sshrl.u32 s10, $0x2;
	s30 =	smul.u32 $0x500, s5  }
0xc: {  	s5 =	sor.u32 $0x1C01, s31;
	s10 =	simm.s32 $0x80;
	s8 =	sadd.s32 s8, s4  }
0xd: {  	s9 =	ssub.s32 s9, s28;
	s15 =	sadd.s32 s29, s2;
	s4 =	sadd.s32 $0xC00, s7  }
0xe: {  	s6 =	sadd.s32 s6, s30;
	s16 =	sadd.s32 $0x28400, s8;
	s7 =	smax.u32 s9, $0x1  }
0xf: {  	s8 =	sshrl.u32 s15, $0x3;
	s9 =	simm.s32 $0x1;
	s15 =	sshrl.u32 @!p0 s15, $0x3  }
0x10: {  	v0 =	vimm.f32 $1.000000000e+00;
	s12 =	sadd.s32 @p0 $0x25080, s16;
	s14 =	sadd.s32 @!p0 s14, s16;
	s16 =	simm.s32 $0x0  }
.LBB2_1:
0x11: {  	[spmem:s8], [sflag:s5] =	dma.local [hbm:s4], $0x2780  }
0x12: {  	_ =	swait.ge [sflag:s9], $0x2780  }
0x13: {  	[sflag:s9] =	ssyncset.done $0x0  }
0x14: {  	[sflag:s9] =	ssyncadd.s32 $0xFFFFD880  }
0x15: {  	[tilespmem:s3], [sflag:$0x1] =	stream.linear.gather [hbm4b:s6+s3], $0x2800, $0x38;
	[tilespmem:$0x8F80] =	vst v63  }
0x16: {  	_ =	swait.ge [sflag:s9], $0x2800  }
0x17: {  	[sflag:s9] =	ssyncset.done $0x0  }
0x18: {  	s17 =	simm.s32 $0x200;
	s18 =	simm.s32 $0x0;
	[sflag:s9] =	ssyncadd.s32 $0xFFFFD800  }
.LBB2_2:
0x19: {  	p1 =	sne.s32 s17, $0xFE00;
	[tilespmem:s18+$0x2800] =	vst v0;
	s18 =	smov.u32 s17;
	s17 =	sadd.s32 $0x200, s17  }
.Ltmp0:
0x1a: {  	(pc) =	sbr.rel @p1 .LBB2_2-.Ltmp0, $2  }
0x1b: {  	_ =	sdelay $0x2  }
0x1c: {  	s18 =	sshra.s32 s18, $0x2  }
0x1d: {  	[tilespmem:s18+$0x2800] =	vst v0  }
0x1e: {  	s17 =	simm.s32 $0x0;
	[bflag:$0x0] =	sbarrier.arrive $0xFFFF  }
0x1f: {  	[spmem:s2] =	stream.indirect.scatter.add.f32 [tilespmem:s11], [sflag:$0x1], $0x10, s17, s10, $0xb8;
	[tilespmem:$0x8F80] =	vst v63  }
0x20: {  	_ =	swait.ge [sflag:s9], $0x800  }
0x21: {  	s17 =	simm.s32 $0x200;
	[sflag:s9] =	ssyncset.done $0x0  }
.LBB2_4:
0x22: {  	s18 =	sshra.s32 s17, $0x2;
	[sflag:s9] =	ssyncadd.s32 $0xFFFFF800;
	p1 =	sne.s32 s17, $0x9E00  }
0x23: {  	[spmem:s2] =	stream.indirect.scatter.add.f32 [tilespmem:s11], [sflag:$0x1], $0x10, s18, s10, $0xb8;
	[tilespmem:$0x8F80] =	vst v63  }
.Ltmp1:
0x24: {  	_ = 	snop;
	(pc) =	sbr.rel @p1 .LBB2_4-.Ltmp1, $4  }
0x25: {  	_ = 	snop  }
0x26: {  	s17 =	sadd.s32 $0x200, s17  }
0x27: {  	_ =	swait.ge [sflag:s9], $0x800  }
0x28: {  	[sflag:s9] =	ssyncset.done $0x0  }
0x29: {  	[sflag:s9] =	ssyncadd.s32 $0xFFFFF800  }
0x2a: {  	s17 =	simm.s32 @p0 $0x1;
	[bflag:$0x0] =	sbarrier.arrive $0xFFFF  }
0x2b: {  	[hbm:s12], [sflag:s5] =	dma.local @p0 [spmem:s13], $0x2080  }
0x2c: {  	s16 =	sadd.s32 $0x1, s16;
	_ =	swait.ge @p0 [sflag:s17], $0x2080  }
0x2d: {  	p1 =	sne.s32 s16, s7;
	[sflag:s17] =	ssyncset.done @p0 $0x0  }
.Ltmp2:
0x2e: {  	[sflag:s17] =	ssyncadd.s32 @p0 $0xFFFFDF80;
	s17 =	simm.s32 @!p0 $0x1;
	(pc) =	sbr.rel @p1 .LBB2_1-.Ltmp2, $4  }
0x2f: {  	[hbm:s14], [sflag:s5] =	dma.local @!p0 [spmem:s15], $0x2780  }
0x30: {  	_ =	swait.ge @!p0 [sflag:s17], $0x2780  }
0x31: {  	[sflag:s17] =	ssyncset.done @!p0 $0x0  }
0x32: {  	[sflag:s17] =	ssyncadd.s32 @!p0 $0xFFFFD880  }
0x33: {  	_ =	sfence.sel $0x180000  }
0x34: {  	[bflag:$0x0] =	sbarrier.arrive $0xFFFF  }
0x35: {  	p0 =	sne.s32 s1, $0x0;
	_ =	strace $0x90000047  }
0x36: {  	s0 =	sadd.s32 @!p0 $0x100000, s0;
	[bflag:$0x2] =	sbarrier.arrive $0xFFFF  }
0x37: {  	[sflag:s0] =	ssyncadd.tile.s32 @!p0 $0x1;
	_ =	shalt  }
.Lfunc_end2:
_tile_overlayer_lowered:
.L_overlay_start_2:
0x38: {  	(tag) =	ssettag $0x2  }
0x39: {  	s0 =	rddreg [dreg:$0x0];
	s2 =	stileid.u32  }
0x3a: {  	s1 =	rddreg [dreg:$0x1];
	p0 =	sne.s32 s2, $0x0  }
0x3b: {  	s3 =	rddreg [dreg:$0x2];
	[bflag:$0x3] =	sbarrier.arrive $0xFFFF;
	s2 =	simm.s32 @!p0 $0x1C01  }
0x3c: {  	[timem:s3], [sflag:s2] =	dma.local @!p0 [hbm:s0], s1  }
0x3d: {  	s0 =	simm.s32 @!p0 $0x1  }
0x3e: {  	_ =	swait.ge @!p0 [sflag:s0], s1  }
0x3f: {  	s1 =	ssub.s32 @!p0 $0x0, s1;
	[sflag:s0] =	ssyncset.done @!p0 $0x0  }
0x40: {  	[sflag:s0] =	ssyncadd.s32 @!p0 s1  }
0x41: {  	[bflag:$0x3] =	sbarrier.arrive $0xFFFF  }
0x42: {  	_ =	shalt  }

// kernel: kernel.9.cloned.1.call-start
scs
__scs_entry_jumppad:
0x0: {  	(pc) =	sbr.rel $0x88, $3  }
0x1: {  	(tag) =	ssettag $0x0;
	lr =	simm.s32 $0x1  }
0x2: {  	[smem:$0x3F9D] =	sst lr;
	_ =	strace $0xD0000000  }
0x3: {  	_ = 	snop  }
0x4: {  	_ = 	snop  }
0x5: {  	_ = 	snop  }
0x6: {  	_ = 	snop  }
0x7: {  	_ = 	snop  }
__scs_overlays_trampoline_lowered:
0x8: {  	[smem:$0x3FAC] =	sst s0  }
0x9: {  	[smem:$0x3FAD] =	sst s1  }
0xa: {  	[smem:$0x3FAE] =	sst s2  }
0xb: {  	[smem:$0x3FAF] =	sst s3  }
0xc: {  	[smem:$0x3FB0] =	sst s4  }
0xd: {  	[smem:$0x3FB1] =	sst s5  }
0xe: {  	[smem:$0x3FB2] =	sst s6  }
0xf: {  	[smem:$0x3FB3] =	sst s7  }
0x10: {  	[smem:$0x3FB4] =	sst s8  }
0x11: {  	[smem:$0x3FB5] =	sst s9;
	s0 =	simm.s32 @!p0 $0x0  }
0x12: {  	s1 =	sld [smem:$0x3F9B];
	s0 =	simm.s32 @p0 $0x1  }
0x13: {  	[smem:$0x3FB6] =	sst s0;
	s0 =	simm.s32 @!p1 $0x0  }
0x14: {  	s2 =	sld [smem:$0x3F9A];
	s0 =	simm.s32 @p1 $0x1  }
0x15: {  	[smem:$0x3FB7] =	sst s0;
	s0 =	simm.s32 @!p2 $0x0  }
0x16: {  	s3 =	sld [smem:$0x3FDB];
	s0 =	simm.s32 @p2 $0x1  }
0x17: {  	s4 =	simm.s32 $0x1BF5;
	[smem:$0x3FB9] =	sst s0  }
0x18: {  	s0 =	sld [smem:$0x3F9C];
	_ =	swait.ge [sflag:s4], $0x0  }
0x19: {  	s7 =	sld [smem:$0x3F9D]  }
0x1a: {  	s8 =	sadd.s32 $0xFFFFE003, lr  }
0x1b: {  	s9 =	sadd.s32 $0xFFFFFEF7, lr;
	s5 =	simm.s32 $0xFFFFFFFF;
	p2 =	slt.u32 s8, $0xFFFFF086  }
0x1c: {  	p1 =	slt.u32 s9, $0xF7A;
	s5 =	simm.s32 @!p2 $0x0  }
0x1d: {  	s5 =	simm.s32 @p1 $0x1;
	p0 =	seq.s32 s7, s2  }
0x1e: {  	s7 =	smul.u32 @!p0 $0xF7A, s2;
	p2 =	seq.s32 @!p0 s5, $0x0  }
0x1f: {  	s9 =	smul.u32 $0xF7A, s1;
	s8 =	simm.s32 @!p0 $0x1BF5;
	p2 =	por !p2, p0  }
0x20: {  	[sflag:s8] =	ssyncset.s32 @!p0 $0xFFFFF086;
	s6 =	sadd.s32 @!p0 s3, s7;
	s7 =	simm.s32 @!p0 $0x108  }
0x21: {  	s3 =	sadd.s32 s3, s9;
	s6 =	sadd.s32 @!p0 $0x88, s6;
	s7 =	simm.s32 @p2 $0x1082  }
0x22: {  	[simem:s7], [sflag:s8] =	dma.local @!p0 [hbm:s6], $0xF7A  }
0x23: {  	s9 =	sor.u32 $0xD0000000, s2;
	s6 =	simm.s32 $0x108;
	_ =	swait.ge @!p0 [sflag:s8], $0x0  }
0x24: {  	s3 =	sadd.s32 $0x88, s3;
	s6 =	simm.s32 @!p1 $0x1082;
	[sflag:s4] =	ssyncset.s32 $0xFFFFF086  }
0x25: {  	[simem:s6], [sflag:s4] =	dma.local [hbm:s3], $0xF7A  }
0x26: {  	[smem:$0x3F9D] =	sst s1;
	(tag) =	ssettag s2;
	_ =	strace s9  }
0x27: {  	s1 =	sld [smem:$0x3FAD]  }
0x28: {  	s2 =	sld [smem:$0x3FAE]  }
0x29: {  	s4 =	sld [smem:$0x3FB0]  }
0x2a: {  	p0 =	seq.s32 s5, $0x0;
	s5 =	sld [smem:$0x3FB1]  }
0x2b: {  	s6 =	sld [smem:$0x3FB2]  }
0x2c: {  	s7 =	sld [smem:$0x3FB3]  }
0x2d: {  	s3 =	simm.s32 $0x108;
	s8 =	sld [smem:$0x3FB4]  }
0x2e: {  	s3 =	simm.s32 @!p0 $0x1082;
	s9 =	sld [smem:$0x3FB5]  }
0x2f: {  	lr =	sadd.s32 s0, s3;
	s0 =	sld [smem:$0x3FAC]  }
0x30: {  	s3 =	sld [smem:$0x3FAF]  }
0x31: {  	[smem:$0x3FB8] =	sst s10  }
0x32: {  	s10 =	sld [smem:$0x3FB6];
	_ =	sdelay $0x3  }
0x33: {  	p0 =	seq.s32 s10, $0x1;
	s10 =	sld [smem:$0x3FB8];
	_ =	sdelay $0x3  }
0x34: {  	[smem:$0x3FB8] =	sst s10  }
0x35: {  	s10 =	sld [smem:$0x3FB7];
	_ =	sdelay $0x3  }
0x36: {  	p1 =	seq.s32 s10, $0x1;
	s10 =	sld [smem:$0x3FB8];
	_ =	sdelay $0x3  }
0x37: {  	[smem:$0x3FB8] =	sst s10  }
0x38: {  	s10 =	sld [smem:$0x3FB9]  }
0x39: {  	_ = 	snop;
	(pc) =	sbr.ind lr, $3  }
0x3a: {  	_ = 	snop  }
0x3b: {  	_ = 	snop  }
0x3c: {  	p2 =	seq.s32 s10, $0x1;
	s10 =	sld [smem:$0x3FB8]  }
0x3d: {  	_ =	shalt  }
0x3e: {  	_ =	shalt  }
0x3f: {  	_ =	shalt  }
0x40: {  	_ =	shalt  }
0x41: {  	_ =	shalt  }
0x42: {  	_ =	shalt  }
0x43: {  	_ =	shalt  }
0x44: {  	_ =	shalt  }
0x45: {  	_ =	shalt  }
0x46: {  	_ =	shalt  }
0x47: {  	_ =	shalt  }
0x48: {  	_ =	shalt  }
0x49: {  	_ =	shalt  }
0x4a: {  	_ =	shalt  }
0x4b: {  	_ =	shalt  }
0x4c: {  	_ =	shalt  }
0x4d: {  	_ =	shalt  }
0x4e: {  	_ =	shalt  }
0x4f: {  	_ =	shalt  }
0x50: {  	_ =	shalt  }
0x51: {  	_ =	shalt  }
0x52: {  	_ =	shalt  }
0x53: {  	_ =	shalt  }
0x54: {  	_ =	shalt  }
0x55: {  	_ =	shalt  }
0x56: {  	_ =	shalt  }
0x57: {  	_ =	shalt  }
0x58: {  	_ =	shalt  }
0x59: {  	_ =	shalt  }
0x5a: {  	_ =	shalt  }
0x5b: {  	_ =	shalt  }
0x5c: {  	_ =	shalt  }
0x5d: {  	_ =	shalt  }
0x5e: {  	_ =	shalt  }
0x5f: {  	_ =	shalt  }
0x60: {  	_ =	shalt  }
0x61: {  	_ =	shalt  }
0x62: {  	_ =	shalt  }
0x63: {  	_ =	shalt  }
0x64: {  	_ =	shalt  }
0x65: {  	_ =	shalt  }
0x66: {  	_ =	shalt  }
0x67: {  	_ =	shalt  }
0x68: {  	_ =	shalt  }
0x69: {  	_ =	shalt  }
0x6a: {  	_ =	shalt  }
0x6b: {  	_ =	shalt  }
0x6c: {  	_ =	shalt  }
0x6d: {  	_ =	shalt  }
0x6e: {  	_ =	shalt  }
0x6f: {  	_ =	shalt  }
0x70: {  	_ =	shalt  }
0x71: {  	_ =	shalt  }
0x72: {  	_ =	shalt  }
0x73: {  	_ =	shalt  }
0x74: {  	_ =	shalt  }
0x75: {  	_ =	shalt  }
0x76: {  	_ =	shalt  }
0x77: {  	_ =	shalt  }
0x78: {  	_ =	shalt  }
0x79: {  	_ =	shalt  }
0x7a: {  	_ =	shalt  }
0x7b: {  	_ =	shalt  }
0x7c: {  	_ =	shalt  }
0x7d: {  	_ =	shalt  }
0x7e: {  	_ =	shalt  }
0x7f: {  	_ =	shalt  }
0x80: {  	_ =	shalt  }
0x81: {  	_ =	shalt  }
0x82: {  	_ =	shalt  }
0x83: {  	_ =	shalt  }
0x84: {  	_ =	shalt  }
0x85: {  	_ =	shalt  }
0x86: {  	_ =	shalt  }
0x87: {  	_ =	shalt  }
.Lfunc_end0:
.L_simem_size_0:
called_computation.1_lowered:
.L_overlay_start_0:
0x88: {  	s2 =	sld [smem:$0x3FD9]  }
0x89: {  	s3 =	sld [smem:$0x3FFE];
	_ =	sdelay $0x1  }
0x8a: {  	s1 =	srdreg.scid  }
0x8b: {  	s0 =	sand.u32 $0x1, s1  }
0x8c: {  	s17 =	sshll.u32 s0, $0xA;
	s2 =	sadd.s32 s3, s2  }
0x8d: {  	s2 =	sadd.s32 s2, s17  }
0x8e: {  	[smem:$0x3FC4] =	sst s2  }
0x8f: {  	_ = 	snop  }
0x90: {  	s2 =	sld [smem:$0x3FD0];
	(tm) =	ssettm $0x1  }
0x91: {  	s18 =	sld [smem:$0x3FFB];
	_ =	sdelay $0x3  }
0x92: {  	_ =	strace s18  }
0x93: {  	s3 =	sld [smem:$0x3FFC];
	_ =	sdelay $0x3  }
0x94: {  	_ =	strace s3  }
0x95: {  	s3 =	sld [smem:$0x3FFD];
	_ =	sdelay $0x3  }
0x96: {  	_ =	strace s3  }
0x97: {  	_ =	strace $0x8FFFFFFF  }
0x98: {  	s19 =	sld [smem:$0x3FDB];
	_ =	sdelay $0x1  }
0x99: {  	s4 =	simm.s32 $_scs_section_size  }
0x9a: {  	s5 =	simm.s32 $_size__tile_overlayer_lowered;
	s6 =	simm.s32 $_tile_overlayer_lowered  }
0x9b: {  	s22 =	simm.s32 $0x1BFF;
	s21 =	sshll.u32 s6, $0x1;
	s3 =	sadd.s32 s4, s19  }
0x9c: {  	s7 =	simm.s32 $0x0;
	s20 =	sshll.u32 s5, $0x1;
	s5 =	sadd.s32 s21, s3  }
0x9d: {  	[timem:s7], [sflag:s22] =	dma.local [hbm:s5], s20  }
0x9e: {  	_ =	swait.ge [sflag:s22], s20  }
0x9f: {  	s4 =	ssub.s32 $0x0, s20;
	[sflag:s22] =	ssyncset.done $0x0  }
0xa0: {  	[sflag:s22] =	ssyncadd.s32 s4;
	_ =	sdelay $0x1  }
0xa1: {  	s23 =	simm.s32 $0x1B8B  }
0xa2: {  	_ =	swait.ge [sflag:s23], $0x1  }
0xa3: {  	[sflag:s23] =	ssyncset.done $0x0  }
0xa4: {  	s25 =	simm.s32 $0x1B8E;
	s24 =	sld [smem:$0x3FFE];
	[sflag:s23] =	ssyncadd.s32 $0xFFFFFFFF  }
0xa5: {  	s26 =	simm.s32 $execute0_lowered;
	[smem:$0x3FD2] =	sst s25  }
0xa6: {  	s5 =	sshll.u32 s26, $0x1;
	_ =	strace $0x80000049;
	[dreg:$0x1] =	wrdreg $0xFFFFFFFF  }
0xa7: {  	s28 =	simm.s32 $_size_execute0_lowered;
	s3 =	sadd.s32 s3, s5;
	[dreg:$0x0] =	wrdreg $0x0  }
0xa8: {  	s5 =	sshll.u32 s28, $0x1;
	[dreg:$0x2] =	wrdreg s3  }
0xa9: {  	[dreg:$0x3] =	wrdreg s5  }
0xaa: {  	[dreg:$0x4] =	wrdreg $0xC0  }
0xab: {  	_ =	task [dreg:s7], $0x5FFFF  }
0xac: {  	[dreg:$0x1] =	wrdreg $0xFFFFFFFF  }
0xad: {  	[dreg:$0x0] =	wrdreg $0x60  }
0xae: {  	[dreg:$0x2] =	wrdreg s2  }
0xaf: {  	[dreg:$0x3] =	wrdreg s24  }
0xb0: {  	[dreg:$0x4] =	wrdreg $0x120000  }
0xb1: {  	[dreg:$0x5] =	wrdreg $0x9  }
0xb2: {  	_ =	task.clear_ibuf [dreg:s7], $0x6FFFF;
	_ =	strace $0x90000049  }
0xb3: {  	s29 =	simm.s32 $0x9;
	_ =	strace $0x8000004B  }
0xb4: {  	_ =	swait.ge [sflag:s29], $0x1  }
0xb5: {  	[sflag:s29] =	ssyncadd.s32 $0xFFFFFFFF  }
0xb6: {  	_ =	strace $0x9000004B  }
0xb7: {  	_ =	sfence  }
0xb8: {  	s30 =	sld [smem:$0x0];
	_ =	sdelay $0x2  }
0xb9: {  	s31 =	sshll.u32 s1, $0xD;
	s1 =	sshrl.u32 s1, $0x2  }
0xba: {  	s3 =	sand.u32 $0x4000, s31;
	s1 =	sadd.s32 s1, s30  }
0xbb: {  	s0 =	sor.u32 s3, s0;
	s1 =	sshll.u32 s1, $0x11  }
0xbc: {  	s0 =	sor.u32 s1, s0  }
0xbd: {  	s0 =	sadd.s32 $0x8F2B, s0  }
0xbe: {  	[sflag:s0] =	ssyncadd.remote.s32 $0x1  }
0xbf: {  	_ =	sfence.sel $0xFFFF  }
0xc0: {  	[dreg:$0x0] =	wrdreg $0xFFFFFFFF;
	(pc) =	sbr.abs _section_cstart, $3  }
0xc1: {  	[dreg:$0x1] =	wrdreg $0xFFFFFFFF  }
0xc2: {  	_ =	task.clear_ibuf [dreg:s7], $0x2FFFF;
	_ =	strace $0x9FFFFFFF  }
0xc3: {  	(tm) =	ssettm $0x7FFFFFFF  }
tec
execute0_lowered:
.L_overlay_start_1:
0x0: {  	(tag) =	ssettag $0x1  }
0x1: {  	s0 =	srdreg.scid;
	s2 =	rddreg [dreg:$0x0]  }
0x2: {  	s15 =	stileid.u32;
	s7 =	rddreg [dreg:$0x1]  }
0x3: {  	s3 =	rddreg [dreg:$0x2];
	s4 =	simm.s32 $0x0;
	s17 =	simm.s32 $0x80  }
0x4: {  	s18 =	simm.s32 $0xA000;
	s19 =	simm.s32 $0xC000;
	s21 =	simm.s32 $0xE000  }
0x5: {  	s23 =	simm.s32 $0x10000;
	s24 =	simm.s32 $0x1;
	s25 =	simm.s32 $0x2  }
0x6: {  	s26 =	simm.s32 $0x3;
	s28 =	simm.s32 $0x4;
	s29 =	simm.s32 $0x9E00  }
0x7: {  	s30 =	simm.s32 $0x9E80;
	s31 =	simm.s32 $0x9F00;
	s1 =	smul.u32 $0x5000, s15  }
0x8: {  	s0 =	sand.u32 $0x1, s0;
	[smem:$0x7FF] =	sst s4;
	s6 =	smul.u32 $0x9E00, s15  }
0x9: {  	s13 =	sadd.s32 $0x94200, s3;
	p0 =	seq.s32 s15, $0xF;
	s5 =	smul.u32 $0x50000, s0  }
0xa: {  	_ =	strace $0x8000004A;
	s9 =	smul.u32 $0x13880, s0;
	s0 =	ssub.s32 $0x2, s0  }
0xb: {  	s11 =	sshrl.u32 s0, $0x1;
	s14 =	sadd.s32 s6, s3;
	s5 =	sadd.s32 s1, s5  }
0xc: {  	s1 =	sshrl.u32 s1, $0x3;
	s12 =	sadd.s32 s9, s7;
	s0 =	ssub.s32 s0, s11  }
0xd: {  	s14 =	sshrl.u32 @!p0 s14, $0x3;
	s5 =	sshrl.u32 s5, $0x3;
	s1 =	sadd.s32 s1, s7  }
0xe: {  	s11 =	smax.u32 s0, $0x1;
	s0 =	sshll.u32 @!p0 s15, $0x6;
	s15 =	simm.s32 $0x5  }
0xf: {  	s8 =	sadd.s32 s5, s7;
	s5 =	sshrl.u32 s6, $0x3;
	s9 =	sadd.s32 $0x76600, s1  }
0x10: {  	s1 =	simm.s32 $0x9F80;
	s10 =	sadd.s32 s5, s7;
	s7 =	sadd.s32 $0x13440, s7  }
0x11: {  	s8 =	sadd.s32 $0x80600, s8;
	s6 =	sadd.s32 $0xC00, s10;
	s10 =	sadd.s32 $0x94600, s12  }
0x12: {  	s12 =	sshrl.u32 @p0 s13, $0x3;
	s13 =	sor.u32 @!p0 $0x1C05, s0;
	s0 =	simm.s32 $0x0  }
.LBB2_1:
0x13: {  	s16 =	simm.s32 @p0 $0x1FC5  }
0x14: {  	[spmem:s12], [sflag:s16] =	dma.local @p0 [hbm:s7], $0x1080  }
0x15: {  	s16 =	simm.s32 @p0 $0x5  }
0x16: {  	_ =	swait.ge @p0 [sflag:s16], $0x1080  }
0x17: {  	[sflag:s16] =	ssyncset.done @p0 $0x0  }
0x18: {  	[sflag:s16] =	ssyncadd.s32 @p0 $0xFFFFEF80;
	s16 =	simm.s32 @!p0 $0x5  }
0x19: {  	[spmem:s14], [sflag:s13] =	dma.local @!p0 [hbm:s6], $0x13C0  }
0x1a: {  	_ =	swait.ge @!p0 [sflag:s16], $0x13C0  }
0x1b: {  	[sflag:s16] =	ssyncset.done @!p0 $0x0  }
0x1c: {  	[sflag:s16] =	ssyncadd.s32 @!p0 $0xFFFFEC40  }
0x1d: {  	[tilespmem:s4], [sflag:$0x5] =	stream.linear.gather [hbm4b:s8+s4], $0x5000, $0x38;
	[tilespmem:$0x1BC60] =	vst v63  }
0x1e: {  	_ =	swait.ge [sflag:s15], $0x5000  }
0x1f: {  	[sflag:s15] =	ssyncset.done $0x0  }
0x20: {  	s20 =	simm.s32 $0x5000;
	[sflag:s15] =	ssyncadd.s32 $0xFFFFB000  }
0x21: {  	[tilespmem:s20], [sflag:$0x5] =	stream.linear.gather [hbm4b:s9+s4], $0x5000, $0x38;
	[tilespmem:$0x1BC60] =	vst v63  }
0x22: {  	_ =	swait.ge [sflag:s15], $0x5000  }
0x23: {  	[sflag:s15] =	ssyncset.done $0x0  }
0x24: {  	[sflag:s15] =	ssyncadd.s32 $0xFFFFB000  }
0x25: {  	[bflag:$0x0] =	sbarrier.arrive $0xFFFF  }
0x26: {  	[tilespmem:s18], [sflag:$0x1] =	stream.indirect.gather [hbm4b:s2+s17], $0x40, s4, s17, $0xb8;
	[tilespmem:$0x1BC60] =	vst v63  }
0x27: {  	_ = 	snop  }
0x28: {  	[tilespmem:s19], [sflag:$0x2] =	stream.indirect.gather [hbm4b:s2+s17], $0x40, s17, s17, $0xb8;
	[tilespmem:$0x1BC60] =	vst v63  }
0x29: {  	s22 =	simm.s32 $0x100  }
0x2a: {  	[tilespmem:s21], [sflag:$0x3] =	stream.indirect.gather [hbm4b:s2+s17], $0x40, s22, s17, $0xb8;
	[tilespmem:$0x1BC60] =	vst v63  }
0x2b: {  	s20 =	simm.s32 $0x180  }
0x2c: {  	[tilespmem:s23], [sflag:$0x4] =	stream.indirect.gather [hbm4b:s2+s17], $0x40, s20, s17, $0xb8;
	[tilespmem:$0x1BC60] =	vst v63  }
0x2d: {  	_ =	swait.ge [sflag:s24], $0x2000  }
0x2e: {  	[sflag:s24] =	ssyncset.done $0x0  }
0x2f: {  	s22 =	simm.s32 $0x5000;
	[sflag:s24] =	ssyncadd.s32 $0xFFFFE000  }
0x30: {  	[spmem:s3] =	stream.indirect.scatter.add.f32 [tilespmem:s18], [sflag:$0x5], $0x40, s22, s17, $0xb8;
	[tilespmem:$0x1BC60] =	vst v63  }
0x31: {  	_ =	swait.ge [sflag:s15], $0x2000  }
0x32: {  	[sflag:s15] =	ssyncset.done $0x0  }
0x33: {  	s20 =	simm.s32 $0x200;
	[sflag:s15] =	ssyncadd.s32 $0xFFFFE000  }
0x34: {  	[tilespmem:s18], [sflag:$0x1] =	stream.indirect.gather [hbm4b:s2+s17], $0x40, s20, s17, $0xb8;
	[tilespmem:$0x1BC60] =	vst v63  }
0x35: {  	_ =	swait.ge [sflag:s25], $0x2000  }
0x36: {  	[sflag:s25] =	ssyncset.done $0x0  }
0x37: {  	s22 =	simm.s32 $0x5080;
	[sflag:s25] =	ssyncadd.s32 $0xFFFFE000  }
0x38: {  	[spmem:s3] =	stream.indirect.scatter.add.f32 [tilespmem:s19], [sflag:$0x5], $0x40, s22, s17, $0xb8;
	[tilespmem:$0x1BC60] =	vst v63  }
0x39: {  	_ =	swait.ge [sflag:s15], $0x2000  }
0x3a: {  	[sflag:s15] =	ssyncset.done $0x0  }
0x3b: {  	s20 =	simm.s32 $0x280;
	[sflag:s15] =	ssyncadd.s32 $0xFFFFE000  }
0x3c: {  	[tilespmem:s19], [sflag:$0x2] =	stream.indirect.gather [hbm4b:s2+s17], $0x40, s20, s17, $0xb8;
	[tilespmem:$0x1BC60] =	vst v63  }
0x3d: {  	_ =	swait.ge [sflag:s26], $0x2000  }
0x3e: {  	[sflag:s26] =	ssyncset.done $0x0  }
0x3f: {  	s22 =	simm.s32 $0x5100;
	[sflag:s26] =	ssyncadd.s32 $0xFFFFE000  }
0x40: {  	[spmem:s3] =	stream.indirect.scatter.add.f32 [tilespmem:s21], [sflag:$0x5], $0x40, s22, s17, $0xb8;
	[tilespmem:$0x1BC60] =	vst v63  }
0x41: {  	_ =	swait.ge [sflag:s15], $0x2000  }
0x42: {  	[sflag:s15] =	ssyncset.done $0x0  }
0x43: {  	s20 =	simm.s32 $0x300;
	[sflag:s15] =	ssyncadd.s32 $0xFFFFE000  }
0x44: {  	[tilespmem:s21], [sflag:$0x3] =	stream.indirect.gather [hbm4b:s2+s17], $0x40, s20, s17, $0xb8;
	[tilespmem:$0x1BC60] =	vst v63  }
0x45: {  	_ =	swait.ge [sflag:s28], $0x2000  }
0x46: {  	[sflag:s28] =	ssyncset.done $0x0  }
0x47: {  	s22 =	simm.s32 $0x5180;
	[sflag:s28] =	ssyncadd.s32 $0xFFFFE000  }
0x48: {  	[spmem:s3] =	stream.indirect.scatter.add.f32 [tilespmem:s23], [sflag:$0x5], $0x40, s22, s17, $0xb8;
	[tilespmem:$0x1BC60] =	vst v63  }
0x49: {  	_ =	swait.ge [sflag:s15], $0x2000  }
0x4a: {  	[sflag:s15] =	ssyncset.done $0x0  }
0x4b: {  	s16 =	simm.s32 $0x800;
	s20 =	simm.s32 $0x380;
	[sflag:s15] =	ssyncadd.s32 $0xFFFFE000  }
.LBB2_2:
0x4c: {  	[tilespmem:s23], [sflag:$0x4] =	stream.indirect.gather [hbm4b:s2+s17], $0x40, s20, s17, $0xb8;
	[tilespmem:$0x1BC60] =	vst v63  }
0x4d: {  	s20 =	smov.u32 s16  }
0x4e: {  	p1 =	sne.s32 s16, $0x13000;
	s16 =	sadd.s32 $0x800, s16;
	_ =	swait.ge [sflag:s24], $0x2000  }
0x4f: {  	s20 =	sshra.s32 s20, $0x2;
	[sflag:s24] =	ssyncset.done $0x0  }
0x50: {  	s22 =	sadd.s32 $0x5000, s20;
	[sflag:s24] =	ssyncadd.s32 $0xFFFFE000  }
0x51: {  	[spmem:s3] =	stream.indirect.scatter.add.f32 [tilespmem:s18], [sflag:$0x5], $0x40, s22, s17, $0xb8;
	[tilespmem:$0x1BC60] =	vst v63  }
0x52: {  	_ =	swait.ge [sflag:s15], $0x2000  }
0x53: {  	[sflag:s15] =	ssyncset.done $0x0  }
0x54: {  	s22 =	sadd.s32 $0x200, s20;
	[sflag:s15] =	ssyncadd.s32 $0xFFFFE000  }
0x55: {  	[tilespmem:s18], [sflag:$0x1] =	stream.indirect.gather [hbm4b:s2+s17], $0x40, s22, s17, $0xb8;
	[tilespmem:$0x1BC60] =	vst v63  }
0x56: {  	_ =	swait.ge [sflag:s25], $0x2000  }
0x57: {  	[sflag:s25] =	ssyncset.done $0x0  }
0x58: {  	s22 =	sadd.s32 $0x5080, s20;
	[sflag:s25] =	ssyncadd.s32 $0xFFFFE000  }
0x59: {  	[spmem:s3] =	stream.indirect.scatter.add.f32 [tilespmem:s19], [sflag:$0x5], $0x40, s22, s17, $0xb8;
	[tilespmem:$0x1BC60] =	vst v63  }
0x5a: {  	_ =	swait.ge [sflag:s15], $0x2000  }
0x5b: {  	[sflag:s15] =	ssyncset.done $0x0  }
0x5c: {  	s22 =	sadd.s32 $0x280, s20;
	[sflag:s15] =	ssyncadd.s32 $0xFFFFE000  }
0x5d: {  	[tilespmem:s19], [sflag:$0x2] =	stream.indirect.gather [hbm4b:s2+s17], $0x40, s22, s17, $0xb8;
	[tilespmem:$0x1BC60] =	vst v63  }
0x5e: {  	_ =	swait.ge [sflag:s26], $0x2000  }
0x5f: {  	[sflag:s26] =	ssyncset.done $0x0  }
0x60: {  	s22 =	sadd.s32 $0x5100, s20;
	[sflag:s26] =	ssyncadd.s32 $0xFFFFE000  }
0x61: {  	[spmem:s3] =	stream.indirect.scatter.add.f32 [tilespmem:s21], [sflag:$0x5], $0x40, s22, s17, $0xb8;
	[tilespmem:$0x1BC60] =	vst v63  }
0x62: {  	_ =	swait.ge [sflag:s15], $0x2000  }
0x63: {  	[sflag:s15] =	ssyncset.done $0x0  }
0x64: {  	s22 =	sadd.s32 $0x300, s20;
	[sflag:s15] =	ssyncadd.s32 $0xFFFFE000  }
0x65: {  	[tilespmem:s21], [sflag:$0x3] =	stream.indirect.gather [hbm4b:s2+s17], $0x40, s22, s17, $0xb8;
	[tilespmem:$0x1BC60] =	vst v63  }
0x66: {  	_ =	swait.ge [sflag:s28], $0x2000  }
0x67: {  	[sflag:s28] =	ssyncset.done $0x0  }
.Ltmp0:
0x68: {  	s22 =	sadd.s32 $0x5180, s20;
	[sflag:s28] =	ssyncadd.s32 $0xFFFFE000;
	(pc) =	sbr.rel @p1 .LBB2_2-.Ltmp0, $4  }
0x69: {  	[spmem:s3] =	stream.indirect.scatter.add.f32 [tilespmem:s23], [sflag:$0x5], $0x40, s22, s17, $0xb8;
	[tilespmem:$0x1BC60] =	vst v63  }
0x6a: {  	_ =	swait.ge [sflag:s15], $0x2000  }
0x6b: {  	[sflag:s15] =	ssyncset.done $0x0  }
0x6c: {  	s20 =	sadd.s32 $0x380, s20;
	[sflag:s15] =	ssyncadd.s32 $0xFFFFE000  }
0x6d: {  	[tilespmem:s23], [sflag:$0x4] =	stream.indirect.gather [hbm4b:s2+s17], $0x40, s20, s17, $0xb8;
	[tilespmem:$0x1BC60] =	vst v63  }
0x6e: {  	_ =	swait.ge [sflag:s24], $0x2000  }
0x6f: {  	[sflag:s24] =	ssyncset.done $0x0  }
0x70: {  	[sflag:s24] =	ssyncadd.s32 $0xFFFFE000  }
0x71: {  	[spmem:s3] =	stream.indirect.scatter.add.f32 [tilespmem:s18], [sflag:$0x5], $0x40, s29, s17, $0xb8;
	[tilespmem:$0x1BC60] =	vst v63  }
0x72: {  	_ =	swait.ge [sflag:s15], $0x2000  }
0x73: {  	[sflag:s15] =	ssyncset.done $0x0  }
0x74: {  	[sflag:s15] =	ssyncadd.s32 $0xFFFFE000  }
0x75: {  	_ =	swait.ge [sflag:s25], $0x2000  }
0x76: {  	[sflag:s25] =	ssyncset.done $0x0  }
0x77: {  	[sflag:s25] =	ssyncadd.s32 $0xFFFFE000  }
0x78: {  	[spmem:s3] =	stream.indirect.scatter.add.f32 [tilespmem:s19], [sflag:$0x5], $0x40, s30, s17, $0xb8;
	[tilespmem:$0x1BC60] =	vst v63  }
0x79: {  	_ =	swait.ge [sflag:s15], $0x2000  }
0x7a: {  	[sflag:s15] =	ssyncset.done $0x0  }
0x7b: {  	[sflag:s15] =	ssyncadd.s32 $0xFFFFE000  }
0x7c: {  	_ =	swait.ge [sflag:s26], $0x2000  }
0x7d: {  	[sflag:s26] =	ssyncset.done $0x0  }
0x7e: {  	[sflag:s26] =	ssyncadd.s32 $0xFFFFE000  }
0x7f: {  	[spmem:s3] =	stream.indirect.scatter.add.f32 [tilespmem:s21], [sflag:$0x5], $0x40, s31, s17, $0xb8;
	[tilespmem:$0x1BC60] =	vst v63  }
0x80: {  	_ =	swait.ge [sflag:s15], $0x2000  }
0x81: {  	[sflag:s15] =	ssyncset.done $0x0  }
0x82: {  	[sflag:s15] =	ssyncadd.s32 $0xFFFFE000  }
0x83: {  	_ =	swait.ge [sflag:s28], $0x2000  }
0x84: {  	[sflag:s28] =	ssyncset.done $0x0  }
0x85: {  	[sflag:s28] =	ssyncadd.s32 $0xFFFFE000  }
0x86: {  	[spmem:s3] =	stream.indirect.scatter.add.f32 [tilespmem:s23], [sflag:$0x5], $0x40, s1, s17, $0xb8;
	[tilespmem:$0x1BC60] =	vst v63  }
0x87: {  	_ =	swait.ge [sflag:s15], $0x2000  }
0x88: {  	[sflag:s15] =	ssyncset.done $0x0  }
0x89: {  	[sflag:s15] =	ssyncadd.s32 $0xFFFFE000  }
0x8a: {  	s16 =	sadd.s32 @p0 $0x12840, s10;
	s20 =	simm.s32 @p0 $0x1FC5;
	[bflag:$0x0] =	sbarrier.arrive $0xFFFF  }
0x8b: {  	[hbm:s16], [sflag:s20] =	dma.local @p0 [spmem:s12], $0x1040  }
0x8c: {  	s16 =	simm.s32 @p0 $0x5  }
0x8d: {  	_ =	swait.ge @p0 [sflag:s16], $0x1040  }
0x8e: {  	s0 =	sadd.s32 $0x1, s0;
	[sflag:s16] =	ssyncset.done @p0 $0x0  }
0x8f: {  	p1 =	sne.s32 s0, s11;
	[sflag:s16] =	ssyncadd.s32 @p0 $0xFFFFEFC0;
	s16 =	sadd.s32 @!p0 s5, s10  }
0x90: {  	[hbm:s16], [sflag:s13] =	dma.local @!p0 [spmem:s14], $0x13C0  }
.Ltmp1:
0x91: {  	_ = 	snop;
	(pc) =	sbr.rel @p1 .LBB2_1-.Ltmp1, $4  }
0x92: {  	s16 =	simm.s32 @!p0 $0x5  }
0x93: {  	_ =	swait.ge @!p0 [sflag:s16], $0x13C0  }
0x94: {  	[sflag:s16] =	ssyncset.done @!p0 $0x0  }
0x95: {  	[sflag:s16] =	ssyncadd.s32 @!p0 $0xFFFFEC40  }
0x96: {  	_ =	sfence.sel $0x180000  }
0x97: {  	[bflag:$0x0] =	sbarrier.arrive $0xFFFF  }
0x98: {  	_ =	strace $0x9000004A  }
0x99: {  	s0 =	stileid.u32;
	[bflag:$0x2] =	sbarrier.arrive $0xFFFF  }
0x9a: {  	p0 =	sne.s32 s0, $0x0;
	s0 =	rddreg [dreg:$0x3]  }
0x9b: {  	s0 =	sadd.s32 @!p0 $0x100000, s0  }
0x9c: {  	[sflag:s0] =	ssyncadd.tile.s32 @!p0 $0x1;
	_ =	shalt  }
.Lfunc_end2:
_tile_overlayer_lowered:
.L_overlay_start_2:
0x9d: {  	(tag) =	ssettag $0x2  }
0x9e: {  	s0 =	rddreg [dreg:$0x0];
	s2 =	stileid.u32  }
0x9f: {  	s1 =	rddreg [dreg:$0x1];
	p0 =	sne.s32 s2, $0x0  }
0xa0: {  	s3 =	rddreg [dreg:$0x2];
	[bflag:$0x3] =	sbarrier.arrive $0xFFFF;
	s2 =	simm.s32 @!p0 $0x1C05  }
0xa1: {  	[timem:s3], [sflag:s2] =	dma.local @!p0 [hbm:s0], s1  }
0xa2: {  	s0 =	simm.s32 @!p0 $0x5  }
0xa3: {  	_ =	swait.ge @!p0 [sflag:s0], s1  }
0xa4: {  	s1 =	ssub.s32 @!p0 $0x0, s1;
	[sflag:s0] =	ssyncset.done @!p0 $0x0  }
0xa5: {  	[sflag:s0] =	ssyncadd.s32 @!p0 s1  }
0xa6: {  	[bflag:$0x3] =	sbarrier.arrive $0xFFFF  }
0xa7: {  	_ =	shalt  }

</sc_bundles>
